<compile_context>
chip_gen: v7x
topology: tpu7x:2x2x1
jax: 0.10.2.dev20260603
libtpu: 0.0.44.dev20260713+nightly
codegen_flags: <defaults>
</compile_context>

<pallas_src>
import functools

import jax
import jax.numpy as jnp
from jax import lax
from jax.experimental import pallas as pl
from jax.experimental.pallas import tpu as pltpu
from jax.experimental.pallas import tpu_sc as plsc

N = 100000
E = 6400000
G = 128
D_IN = 5
D_HID = 30
D_OUT = 8
DP = 16

NC = 2
NS = 16
NW = NC * NS
EPW = E // NW
CH = 128
NFULL = EPW // CH
TAIL = EPW - NFULL * CH

RPT = N // NS
DEG_CHUNK = 5000
DEG_NCHUNK = N // DEG_CHUNK


def _sc_mesh():
    return plsc.VectorSubcoreMesh(
        core_axis_name="c", subcore_axis_name="s", num_cores=NC, num_subcores=NS
    )


def _sc_degree(dst, zeros_n8, ones_ch8):

    @functools.partial(
        pl.kernel,
        out_type=jax.ShapeDtypeStruct((NC * N, DP), jnp.float32),
        mesh=_sc_mesh(),
        compiler_params=pltpu.CompilerParams(use_tc_tiling_on_sc=False),
        scratch_types=[
            pltpu.VMEM_SHARED((N, DP), jnp.float32),
            pltpu.VMEM((CH,), jnp.int32),
            pltpu.VMEM((TAIL,), jnp.int32),
            pltpu.VMEM((CH, DP), jnp.float32),
            pltpu.SemaphoreType.DMA,
        ],
    )
    def body(dst_hbm, zeros_hbm, ones_hbm, out_hbm, deg_sh, idx_v, idxt_v, ones_v, sem):
        c = lax.axis_index("c")
        s = lax.axis_index("s")
        w = c * NS + s
        pltpu.sync_copy(zeros_hbm.at[pl.ds(s * DEG_CHUNK, DEG_CHUNK)],
                        deg_sh.at[pl.ds(s * DEG_CHUNK, DEG_CHUNK)])

        @pl.when(s < DEG_NCHUNK - NS)
        def _():
            pltpu.sync_copy(zeros_hbm.at[pl.ds((NS + s) * DEG_CHUNK, DEG_CHUNK)],
                            deg_sh.at[pl.ds((NS + s) * DEG_CHUNK, DEG_CHUNK)])

        pltpu.sync_copy(ones_hbm, ones_v)
        plsc.subcore_barrier()

        base = w * EPW

        def step(j, carry):
            pltpu.sync_copy(dst_hbm.at[pl.ds(base + j * CH, CH)], idx_v)
            pltpu.sync_copy(ones_v, deg_sh.at[idx_v], add=True)
            return carry

        lax.fori_loop(0, NFULL, step, 0)
        pltpu.sync_copy(dst_hbm.at[pl.ds(base + NFULL * CH, TAIL)], idxt_v)
        pltpu.sync_copy(ones_v.at[pl.ds(0, TAIL)], deg_sh.at[idxt_v], add=True)

        plsc.subcore_barrier()
        pltpu.sync_copy(deg_sh.at[pl.ds(s * DEG_CHUNK, DEG_CHUNK)],
                        out_hbm.at[pl.ds(c * N + s * DEG_CHUNK, DEG_CHUNK)])

        @pl.when(s < DEG_NCHUNK - NS)
        def _():
            pltpu.sync_copy(deg_sh.at[pl.ds((NS + s) * DEG_CHUNK, DEG_CHUNK)],
                            out_hbm.at[pl.ds(c * N + (NS + s) * DEG_CHUNK, DEG_CHUNK)])

    return body(dst, zeros_n8, ones_ch8)


def _sc_aggregate(table, src, dst, zeros_n8):

    @functools.partial(
        pl.kernel,
        out_type=jax.ShapeDtypeStruct((NC * N, DP), jnp.float32),
        mesh=_sc_mesh(),
        compiler_params=pltpu.CompilerParams(use_tc_tiling_on_sc=False),
        scratch_types=[
            pltpu.VMEM_SHARED((N, DP), jnp.float32),
            pltpu.VMEM((CH,), jnp.int32),
            pltpu.VMEM((CH,), jnp.int32),
            pltpu.VMEM((TAIL,), jnp.int32),
            pltpu.VMEM((TAIL,), jnp.int32),
            pltpu.VMEM((CH, DP), jnp.float32),
            pltpu.SemaphoreType.DMA,
            pltpu.SemaphoreType.DMA,
            pltpu.SemaphoreType.DMA,
        ],
    )
    def body(tab_hbm, src_hbm, dst_hbm, zeros_hbm, out_hbm,
             agg_sh, sidx, didx, sidxt, didxt, rows_v, sem_a, sem_b, sem_g):
        c = lax.axis_index("c")
        s = lax.axis_index("s")
        w = c * NS + s
        pltpu.sync_copy(zeros_hbm.at[pl.ds(s * DEG_CHUNK, DEG_CHUNK)],
                        agg_sh.at[pl.ds(s * DEG_CHUNK, DEG_CHUNK)])

        @pl.when(s < DEG_NCHUNK - NS)
        def _():
            pltpu.sync_copy(zeros_hbm.at[pl.ds((NS + s) * DEG_CHUNK, DEG_CHUNK)],
                            agg_sh.at[pl.ds((NS + s) * DEG_CHUNK, DEG_CHUNK)])

        plsc.subcore_barrier()

        base = w * EPW

        def step(j, carry):
            off = base + j * CH
            cp_s = pltpu.async_copy(src_hbm.at[pl.ds(off, CH)], sidx, sem_a)
            cp_d = pltpu.async_copy(dst_hbm.at[pl.ds(off, CH)], didx, sem_b)
            cp_s.wait()
            pltpu.async_copy(tab_hbm.at[sidx], rows_v, sem_g).wait()
            cp_d.wait()
            pltpu.sync_copy(rows_v, agg_sh.at[didx], add=True)
            return carry

        lax.fori_loop(0, NFULL, step, 0)
        off = base + NFULL * CH
        pltpu.sync_copy(src_hbm.at[pl.ds(off, TAIL)], sidxt)
        pltpu.sync_copy(dst_hbm.at[pl.ds(off, TAIL)], didxt)
        pltpu.async_copy(tab_hbm.at[sidxt], rows_v.at[pl.ds(0, TAIL)], sem_g).wait()
        pltpu.sync_copy(rows_v.at[pl.ds(0, TAIL)], agg_sh.at[didxt], add=True)

        plsc.subcore_barrier()
        pltpu.sync_copy(agg_sh.at[pl.ds(s * DEG_CHUNK, DEG_CHUNK)],
                        out_hbm.at[pl.ds(c * N + s * DEG_CHUNK, DEG_CHUNK)])

        @pl.when(s < DEG_NCHUNK - NS)
        def _():
            pltpu.sync_copy(agg_sh.at[pl.ds((NS + s) * DEG_CHUNK, DEG_CHUNK)],
                            out_hbm.at[pl.ds(c * N + (NS + s) * DEG_CHUNK, DEG_CHUNK)])

    return body(table, src, dst, zeros_n8)


BN = 2000
NBLK = N // BN


def _tc_prep(deg2, x):
    def body(deg_ref, x_ref, dinv_ref, u_ref):
        deg = deg_ref[0, :, 0] + deg_ref[1, :, 0] + 1.0
        dinv = lax.rsqrt(deg)
        dinv_ref[...] = dinv[:, None]
        ux = x_ref[...] * dinv[:, None]
        pad = jnp.zeros((BN, DP - D_IN), jnp.float32)
        u_ref[...] = jnp.concatenate([ux, pad], axis=1)

    return pl.pallas_call(
        body,
        grid=(NBLK,),
        in_specs=[
            pl.BlockSpec((NC, BN, DP), lambda i: (0, i, 0)),
            pl.BlockSpec((BN, D_IN), lambda i: (i, 0)),
        ],
        out_specs=[
            pl.BlockSpec((BN, 1), lambda i: (i, 0)),
            pl.BlockSpec((BN, DP), lambda i: (i, 0)),
        ],
        out_shape=[
            jax.ShapeDtypeStruct((N, 1), jnp.float32),
            jax.ShapeDtypeStruct((N, DP), jnp.float32),
        ],
    )(deg2, x)


def _tc_mid(agg1, u, dinv, W1, b1, W2):
    def body(a_ref, u_ref, dinv_ref, w1_ref, b1_ref, w2_ref, q_ref):
        dinv = dinv_ref[...]
        z8 = dinv * (a_ref[0] + a_ref[1] + u_ref[...])
        z = z8[:, :D_IN]
        h = jnp.dot(z, w1_ref[...], preferred_element_type=jnp.float32) + b1_ref[...][None, :]
        h = jnp.maximum(h, 0.0)
        q = jnp.dot(h, w2_ref[...], preferred_element_type=jnp.float32)
        qpad = jnp.concatenate([q, jnp.zeros((BN, DP - D_OUT), jnp.float32)], axis=1)
        q_ref[...] = dinv * qpad

    return pl.pallas_call(
        body,
        grid=(NBLK,),
        in_specs=[
            pl.BlockSpec((NC, BN, DP), lambda i: (0, i, 0)),
            pl.BlockSpec((BN, DP), lambda i: (i, 0)),
            pl.BlockSpec((BN, 1), lambda i: (i, 0)),
            pl.BlockSpec((D_IN, D_HID), lambda i: (0, 0)),
            pl.BlockSpec((D_HID,), lambda i: (0,)),
            pl.BlockSpec((D_HID, D_OUT), lambda i: (0, 0)),
        ],
        out_specs=pl.BlockSpec((BN, DP), lambda i: (i, 0)),
        out_shape=jax.ShapeDtypeStruct((N, DP), jnp.float32),
    )(agg1, u, dinv, W1, b1, W2)


def _tc_pool(agg2, q, dinv, batch, b2):
    def body(a_ref, q_ref, dinv_ref, batch_ref, b2_ref, out_ref, cnt_ref):
        i = pl.program_id(0)

        @pl.when(i == 0)
        def _():
            out_ref[...] = jnp.zeros((G, D_OUT), jnp.float32)
            cnt_ref[...] = jnp.zeros((G, 1), jnp.float32)

        dinv = dinv_ref[...]
        o2 = dinv * (a_ref[0] + a_ref[1] + q_ref[...])
        gids = lax.broadcasted_iota(jnp.int32, (G, BN), 0)
        P = (batch_ref[...][:, 0][None, :] == gids).astype(jnp.float32)
        out_ref[...] += jnp.dot(P, o2[:, :D_OUT], preferred_element_type=jnp.float32)
        cnt_ref[...] += jnp.sum(P, axis=1, keepdims=True)

        @pl.when(i == NBLK - 1)
        def _():
            cnt = cnt_ref[...]
            out_ref[...] = (out_ref[...] + cnt * b2_ref[...][None, :]) / jnp.maximum(cnt, 1.0)

    return pl.pallas_call(
        body,
        grid=(NBLK,),
        in_specs=[
            pl.BlockSpec((NC, BN, DP), lambda i: (0, i, 0)),
            pl.BlockSpec((BN, DP), lambda i: (i, 0)),
            pl.BlockSpec((BN, 1), lambda i: (i, 0)),
            pl.BlockSpec((BN, 1), lambda i: (i, 0)),
            pl.BlockSpec((D_OUT,), lambda i: (0,)),
        ],
        out_specs=pl.BlockSpec((G, D_OUT), lambda i: (0, 0)),
        out_shape=jax.ShapeDtypeStruct((G, D_OUT), jnp.float32),
        scratch_shapes=[pltpu.VMEM((G, 1), jnp.float32)],
    )(agg2, q, dinv, batch, b2)


def kernel(x, edge_index, batch, W1, b1, W2, b2):
    src = edge_index[0].astype(jnp.int32)
    dst = edge_index[1].astype(jnp.int32)
    batch = batch.astype(jnp.int32)
    x = x.astype(jnp.float32)

    zeros_n8 = jnp.zeros((N, DP), jnp.float32)
    ones_ch8 = jnp.ones((CH, DP), jnp.float32)

    deg2 = _sc_degree(dst, zeros_n8, ones_ch8).reshape(NC, N, DP)
    dinv, u = _tc_prep(deg2, x)
    agg1 = _sc_aggregate(u, src, dst, zeros_n8).reshape(NC, N, DP)
    q = _tc_mid(agg1, u, dinv, W1, b1, W2)
    agg2 = _sc_aggregate(q, src, dst, zeros_n8).reshape(NC, N, DP)
    return _tc_pool(agg2, q, dinv, batch.reshape(N, 1), b2)

# --- scband reference (transcript-rebuilt; emitter-appended) ---
"""Pipeline reference for scband-net-16561393893563 (READ-ONLY COPY).

The authoritative reference and input builder live on the scoring server;
editing this copy changes nothing except your own understanding.
"""

import jax, jax.numpy as jnp
import numpy as np

N = 100000
E = 6400000
G = 128
D_IN = 5
D_HID = 30
D_OUT = 8


def setup_inputs(seed: int = 0) -> dict:
    key = jax.random.key(seed)
    k1, k2, k3, k4, k5 = jax.random.split(key, 5)
    x = jax.random.normal(k1, (N, D_IN), dtype=jnp.float32)
    edge_index = jax.random.randint(k2, (2, E), 0, N)
    batch = jnp.sort(jax.random.randint(k3, (N,), 0, G))
    W1 = jax.random.normal(k4, (D_IN, D_HID), dtype=jnp.float32) * (1.0 / np.sqrt(D_IN))
    b1 = jnp.zeros((D_HID,), dtype=jnp.float32)
    W2 = jax.random.normal(k5, (D_HID, D_OUT), dtype=jnp.float32) * (1.0 / np.sqrt(D_HID))
    b2 = jnp.zeros((D_OUT,), dtype=jnp.float32)
    return {"x": x, "edge_index": edge_index, "batch": batch, "W1": W1, "b1": b1, "W2": W2, "b2": b2}


def _gcn_conv(x, edge_index, W, b, num_nodes):
    # GCNConv: x' = D^{-1/2} (A + I) D^{-1/2} (x W) + b
    src = edge_index[0]
    dst = edge_index[1]
    loop = jnp.arange(num_nodes, dtype=src.dtype)
    src2 = jnp.concatenate([src, loop])
    dst2 = jnp.concatenate([dst, loop])
    ones = jnp.ones(src2.shape[0], dtype=x.dtype)
    deg = jax.ops.segment_sum(ones, dst2, num_segments=num_nodes)
    dinv = jnp.where(deg > 0, jax.lax.rsqrt(deg), 0.0)
    norm = dinv[src2] * dinv[dst2]
    xw = x @ W
    msg = xw[src2] * norm[:, None]
    out = jax.ops.segment_sum(msg, dst2, num_segments=num_nodes)
    return out + b


def reference(x, edge_index, batch, W1, b1, W2, b2):
    h = _gcn_conv(x, edge_index, W1, b1, N)
    h = jax.nn.relu(h)
    # dropout is identity in eval mode (self.training == False)
    h = _gcn_conv(h, edge_index, W2, b2, N)
    # scatter_mean over batch ids
    sums = jax.ops.segment_sum(h, batch, num_segments=G)
    counts = jax.ops.segment_sum(jnp.ones((N,), dtype=h.dtype), batch, num_segments=G)
    counts = jnp.clip(counts, 1.0, None)
    return sums / counts[:, None]

if __name__ == "__main__":
    import jax
    _d = setup_inputs()
    print(jax.jit(kernel)(*tuple(_d.values())))

</pallas_src>

<mosaic_0001>
#map = affine_map<(d0, d1) -> (0, 0)>
#map1 = affine_map<(d0, d1) -> (0)>
module attributes {stable_mosaic.version = 14 : i64} {
  func.func @body(%arg0: i32, %arg1: i32, %arg2: memref<100000x16xf32, #tpu.memory_space<hbm>>, %arg3: memref<6400000xi32, #tpu.memory_space<hbm>>, %arg4: memref<6400000xi32, #tpu.memory_space<hbm>>, %arg5: memref<100000x16xf32, #tpu.memory_space<hbm>>, %arg6: memref<200000x16xf32, #tpu.memory_space<hbm>>, %arg7: memref<100000x16xf32, #tpu.memory_space<vmem_shared>>, %arg8: memref<128xi32, #tpu.memory_space<vmem>>, %arg9: memref<128xi32, #tpu.memory_space<vmem>>, %arg10: memref<64xi32, #tpu.memory_space<vmem>>, %arg11: memref<64xi32, #tpu.memory_space<vmem>>, %arg12: memref<128x16xf32, #tpu.memory_space<vmem>>, %arg13: memref<!tpu.dma_semaphore, #tpu.memory_space<semaphore_mem>>, %arg14: memref<!tpu.dma_semaphore, #tpu.memory_space<semaphore_mem>>, %arg15: memref<!tpu.dma_semaphore, #tpu.memory_space<semaphore_mem>>) attributes {dimension_semantics = [#tpu.dimension_semantics<core_parallel>, #tpu.dimension_semantics<subcore_parallel>], iteration_bounds = array<i64: 2, 16>, scalar_prefetch = 0 : i64, scratch_operands = 9 : i64, tpu.core_type = #tpu.core_type<sc_vector_subcore>, window_params = [{transform_indices = #map}, {transform_indices = #map1}, {transform_indices = #map1}, {transform_indices = #map}, {transform_indices = #map}]} {
    %mul3A = arith.constant 16 : i32
    %mul3A_0 = arith.muli %arg0, %mul3A : i32
    %add3A = arith.addi %mul3A_0, %arg1 : i32
    %mul3A_1 = arith.constant 5000 : i32
    %mul3A_2 = arith.muli %arg1, %mul3A_1 : i32
    %mul3A_3 = arith.constant 5000 : i32
    %mul3A_4 = arith.muli %arg1, %mul3A_3 : i32
    "tpu.region"() ({
      %run_scoped3A = tpu.sem_alloc : memref<!tpu.dma_semaphore, #tpu.memory_space<semaphore_mem>>
      %dma_start3A_39 = arith.constant 0 : i32
      %dma_start3A_40 = tpu.memref_slice %arg7[%mul3A_4, %dma_start3A_39] : memref<100000x16xf32, #tpu.memory_space<vmem_shared>> -> memref<5000x16xf32, #tpu.memory_space<vmem_shared>>
      %dma_start3A_41 = arith.constant 0 : i32
      %dma_start3A_42 = tpu.memref_slice %arg5[%mul3A_2, %dma_start3A_41] : memref<100000x16xf32, #tpu.memory_space<hbm>> -> memref<5000x16xf32, #tpu.memory_space<hbm>>
      tpu.enqueue_dma source(%dma_start3A_42 : memref<5000x16xf32, #tpu.memory_space<hbm>>) target(%dma_start3A_40 : memref<5000x16xf32, #tpu.memory_space<vmem_shared>>) target_semaphore(%run_scoped3A : memref<!tpu.dma_semaphore, #tpu.memory_space<semaphore_mem>>)
      %dma_wait3A_43 = arith.constant 0 : i32
      %dma_wait3A_44 = tpu.memref_slice %arg7[%mul3A_4, %dma_wait3A_43] : memref<100000x16xf32, #tpu.memory_space<vmem_shared>> -> memref<5000x16xf32, #tpu.memory_space<vmem_shared>>
      %dma_wait3A_45 = arith.constant 0 : i32
      %dma_wait3A_46 = tpu.memref_slice %arg5[%mul3A_2, %dma_wait3A_45] : memref<100000x16xf32, #tpu.memory_space<hbm>> -> memref<5000x16xf32, #tpu.memory_space<hbm>>
      tpu.wait_dma2 semaphore(%run_scoped3A : memref<!tpu.dma_semaphore, #tpu.memory_space<semaphore_mem>>) src(%dma_wait3A_46 : memref<5000x16xf32, #tpu.memory_space<hbm>>) dst(%dma_wait3A_44 : memref<5000x16xf32, #tpu.memory_space<vmem_shared>>)
      tpu.yield
    }) : () -> ()
    %lt3A = arith.constant 4 : i32
    %lt3A_5 = arith.cmpi slt, %arg1, %lt3A : i32
    %convert_element_type3A = arith.extui %lt3A_5 : i1 to i32
    %cond3A = arith.constant 0 : i32
    %cond3A_6 = arith.cmpi ne, %convert_element_type3A, %cond3A : i32
    scf.if %cond3A_6 {
      %add3A_39 = arith.constant 16 : i32
      %add3A_40 = arith.addi %add3A_39, %arg1 : i32
      %mul3A_41 = arith.constant 5000 : i32
      %mul3A_42 = arith.muli %add3A_40, %mul3A_41 : i32
      %add3A_43 = arith.constant 16 : i32
      %add3A_44 = arith.addi %add3A_43, %arg1 : i32
      %mul3A_45 = arith.constant 5000 : i32
      %mul3A_46 = arith.muli %add3A_44, %mul3A_45 : i32
      "tpu.region"() ({
        %run_scoped3A = tpu.sem_alloc : memref<!tpu.dma_semaphore, #tpu.memory_space<semaphore_mem>>
        %dma_start3A_47 = arith.constant 0 : i32
        %dma_start3A_48 = tpu.memref_slice %arg7[%mul3A_46, %dma_start3A_47] : memref<100000x16xf32, #tpu.memory_space<vmem_shared>> -> memref<5000x16xf32, #tpu.memory_space<vmem_shared>>
        %dma_start3A_49 = arith.constant 0 : i32
        %dma_start3A_50 = tpu.memref_slice %arg5[%mul3A_42, %dma_start3A_49] : memref<100000x16xf32, #tpu.memory_space<hbm>> -> memref<5000x16xf32, #tpu.memory_space<hbm>>
        tpu.enqueue_dma source(%dma_start3A_50 : memref<5000x16xf32, #tpu.memory_space<hbm>>) target(%dma_start3A_48 : memref<5000x16xf32, #tpu.memory_space<vmem_shared>>) target_semaphore(%run_scoped3A : memref<!tpu.dma_semaphore, #tpu.memory_space<semaphore_mem>>)
        %dma_wait3A_51 = arith.constant 0 : i32
        %dma_wait3A_52 = tpu.memref_slice %arg7[%mul3A_46, %dma_wait3A_51] : memref<100000x16xf32, #tpu.memory_space<vmem_shared>> -> memref<5000x16xf32, #tpu.memory_space<vmem_shared>>
        %dma_wait3A_53 = arith.constant 0 : i32
        %dma_wait3A_54 = tpu.memref_slice %arg5[%mul3A_42, %dma_wait3A_53] : memref<100000x16xf32, #tpu.memory_space<hbm>> -> memref<5000x16xf32, #tpu.memory_space<hbm>>
        tpu.wait_dma2 semaphore(%run_scoped3A : memref<!tpu.dma_semaphore, #tpu.memory_space<semaphore_mem>>) src(%dma_wait3A_54 : memref<5000x16xf32, #tpu.memory_space<hbm>>) dst(%dma_wait3A_52 : memref<5000x16xf32, #tpu.memory_space<vmem_shared>>)
        tpu.yield
      }) : () -> ()
    } else {
    }
    %barrier3A = arith.constant 0 : index
    tpu.barrier barrier_id(%barrier3A)
    %mul3A_7 = arith.constant 200000 : i32
    %mul3A_8 = arith.muli %add3A, %mul3A_7 : i32
    %scan3A = arith.constant 0 : i32
    %scan3A_9 = arith.constant 0 : i32
    %scan3A_10 = arith.constant 1562 : i32
    %scan3A_11 = arith.addi %scan3A_9, %scan3A_10 : i32
    %scan3A_12 = arith.constant 1 : i32
    scf.for %scan3A_39 = %scan3A_9 to %scan3A_11 step %scan3A_12  : i32 {
      %mul3A_40 = arith.constant 128 : i32
      %mul3A_41 = arith.muli %scan3A_39, %mul3A_40 : i32
      %add3A_42 = arith.addi %mul3A_8, %mul3A_41 : i32
      %dma_start3A_43 = tpu.memref_slice %arg3[%add3A_42] : memref<6400000xi32, #tpu.memory_space<hbm>> -> memref<128xi32, #tpu.memory_space<hbm>>
      %dma_start3A_44 = tpu.memref_slice %arg3[%add3A_42] : memref<6400000xi32, #tpu.memory_space<hbm>> -> memref<128xi32, #tpu.memory_space<hbm>>
      tpu.enqueue_dma source(%dma_start3A_44 : memref<128xi32, #tpu.memory_space<hbm>>) target(%arg8 : memref<128xi32, #tpu.memory_space<vmem>>) target_semaphore(%arg13 : memref<!tpu.dma_semaphore, #tpu.memory_space<semaphore_mem>>)
      %dma_start3A_45 = tpu.memref_slice %arg4[%add3A_42] : memref<6400000xi32, #tpu.memory_space<hbm>> -> memref<128xi32, #tpu.memory_space<hbm>>
      %dma_start3A_46 = tpu.memref_slice %arg4[%add3A_42] : memref<6400000xi32, #tpu.memory_space<hbm>> -> memref<128xi32, #tpu.memory_space<hbm>>
      tpu.enqueue_dma source(%dma_start3A_46 : memref<128xi32, #tpu.memory_space<hbm>>) target(%arg9 : memref<128xi32, #tpu.memory_space<vmem>>) target_semaphore(%arg14 : memref<!tpu.dma_semaphore, #tpu.memory_space<semaphore_mem>>)
      %dma_wait3A_47 = tpu.memref_slice %arg3[%add3A_42] : memref<6400000xi32, #tpu.memory_space<hbm>> -> memref<128xi32, #tpu.memory_space<hbm>>
      %dma_wait3A_48 = tpu.memref_slice %arg3[%add3A_42] : memref<6400000xi32, #tpu.memory_space<hbm>> -> memref<128xi32, #tpu.memory_space<hbm>>
      tpu.wait_dma2 semaphore(%arg13 : memref<!tpu.dma_semaphore, #tpu.memory_space<semaphore_mem>>) src(%dma_wait3A_48 : memref<128xi32, #tpu.memory_space<hbm>>) dst(%arg8 : memref<128xi32, #tpu.memory_space<vmem>>)
      %dma_start3A_49 = arith.constant 0 : i32
      %dma_start3A_50 = arith.constant 0 : i32
      %dma_start3A_51 = tpu.memref_slice %arg2[%dma_start3A_49, %dma_start3A_50] : memref<100000x16xf32, #tpu.memory_space<hbm>> -> memref<100000x16xf32, #tpu.memory_space<hbm>>
      tpu.enqueue_indirect_dma source(%dma_start3A_51 : memref<100000x16xf32, #tpu.memory_space<hbm>>) target(%arg12 : memref<128x16xf32, #tpu.memory_space<vmem>>) offsets(%arg8 : memref<128xi32, #tpu.memory_space<vmem>>) semaphore(%arg15 : memref<!tpu.dma_semaphore, #tpu.memory_space<semaphore_mem>>)
      %dma_wait3A_52 = arith.constant 0 : i32
      %dma_wait3A_53 = arith.constant 0 : i32
      %dma_wait3A_54 = tpu.memref_slice %arg2[%dma_wait3A_52, %dma_wait3A_53] : memref<100000x16xf32, #tpu.memory_space<hbm>> -> memref<100000x16xf32, #tpu.memory_space<hbm>>
      tpu.wait_indirect_dma semaphore(%arg15 : memref<!tpu.dma_semaphore, #tpu.memory_space<semaphore_mem>>) src(%dma_wait3A_54 : memref<100000x16xf32, #tpu.memory_space<hbm>>) dst(%arg12 : memref<128x16xf32, #tpu.memory_space<vmem>>)
      %dma_wait3A_55 = tpu.memref_slice %arg4[%add3A_42] : memref<6400000xi32, #tpu.memory_space<hbm>> -> memref<128xi32, #tpu.memory_space<hbm>>
      %dma_wait3A_56 = tpu.memref_slice %arg4[%add3A_42] : memref<6400000xi32, #tpu.memory_space<hbm>> -> memref<128xi32, #tpu.memory_space<hbm>>
      tpu.wait_dma2 semaphore(%arg14 : memref<!tpu.dma_semaphore, #tpu.memory_space<semaphore_mem>>) src(%dma_wait3A_56 : memref<128xi32, #tpu.memory_space<hbm>>) dst(%arg9 : memref<128xi32, #tpu.memory_space<vmem>>)
      "tpu.region"() ({
        %run_scoped3A = tpu.sem_alloc : memref<!tpu.dma_semaphore, #tpu.memory_space<semaphore_mem>>
        %dma_start3A_57 = arith.constant 0 : i32
        %dma_start3A_58 = arith.constant 0 : i32
        %dma_start3A_59 = tpu.memref_slice %arg7[%dma_start3A_57, %dma_start3A_58] : memref<100000x16xf32, #tpu.memory_space<vmem_shared>> -> memref<100000x16xf32, #tpu.memory_space<vmem_shared>>
        tpu.enqueue_indirect_dma source(%arg12 : memref<128x16xf32, #tpu.memory_space<vmem>>) target(%dma_start3A_59 : memref<100000x16xf32, #tpu.memory_space<vmem_shared>>) offsets(%arg9 : memref<128xi32, #tpu.memory_space<vmem>>) semaphore(%run_scoped3A : memref<!tpu.dma_semaphore, #tpu.memory_space<semaphore_mem>>) {add = true}
        %dma_wait3A_60 = arith.constant 0 : i32
        %dma_wait3A_61 = arith.constant 0 : i32
        %dma_wait3A_62 = tpu.memref_slice %arg7[%dma_wait3A_60, %dma_wait3A_61] : memref<100000x16xf32, #tpu.memory_space<vmem_shared>> -> memref<100000x16xf32, #tpu.memory_space<vmem_shared>>
        tpu.wait_indirect_dma semaphore(%run_scoped3A : memref<!tpu.dma_semaphore, #tpu.memory_space<semaphore_mem>>) src(%arg12 : memref<128x16xf32, #tpu.memory_space<vmem>>) dst(%dma_wait3A_62 : memref<100000x16xf32, #tpu.memory_space<vmem_shared>>)
        tpu.yield
      }) : () -> ()
    }
    %scan3A_13 = arith.constant 1562 : i32
    %add3A_14 = arith.constant 199936 : i32
    %add3A_15 = arith.addi %mul3A_8, %add3A_14 : i32
    "tpu.region"() ({
      %run_scoped3A = tpu.sem_alloc : memref<!tpu.dma_semaphore, #tpu.memory_space<semaphore_mem>>
      %dma_start3A_39 = tpu.memref_slice %arg3[%add3A_15] : memref<6400000xi32, #tpu.memory_space<hbm>> -> memref<64xi32, #tpu.memory_space<hbm>>
      %dma_start3A_40 = tpu.memref_slice %arg3[%add3A_15] : memref<6400000xi32, #tpu.memory_space<hbm>> -> memref<64xi32, #tpu.memory_space<hbm>>
      tpu.enqueue_dma source(%dma_start3A_40 : memref<64xi32, #tpu.memory_space<hbm>>) target(%arg10 : memref<64xi32, #tpu.memory_space<vmem>>) target_semaphore(%run_scoped3A : memref<!tpu.dma_semaphore, #tpu.memory_space<semaphore_mem>>)
      %dma_wait3A_41 = tpu.memref_slice %arg3[%add3A_15] : memref<6400000xi32, #tpu.memory_space<hbm>> -> memref<64xi32, #tpu.memory_space<hbm>>
      %dma_wait3A_42 = tpu.memref_slice %arg3[%add3A_15] : memref<6400000xi32, #tpu.memory_space<hbm>> -> memref<64xi32, #tpu.memory_space<hbm>>
      tpu.wait_dma2 semaphore(%run_scoped3A : memref<!tpu.dma_semaphore, #tpu.memory_space<semaphore_mem>>) src(%dma_wait3A_42 : memref<64xi32, #tpu.memory_space<hbm>>) dst(%arg10 : memref<64xi32, #tpu.memory_space<vmem>>)
      tpu.yield
    }) : () -> ()
    "tpu.region"() ({
      %run_scoped3A = tpu.sem_alloc : memref<!tpu.dma_semaphore, #tpu.memory_space<semaphore_mem>>
      %dma_start3A_39 = tpu.memref_slice %arg4[%add3A_15] : memref<6400000xi32, #tpu.memory_space<hbm>> -> memref<64xi32, #tpu.memory_space<hbm>>
      %dma_start3A_40 = tpu.memref_slice %arg4[%add3A_15] : memref<6400000xi32, #tpu.memory_space<hbm>> -> memref<64xi32, #tpu.memory_space<hbm>>
      tpu.enqueue_dma source(%dma_start3A_40 : memref<64xi32, #tpu.memory_space<hbm>>) target(%arg11 : memref<64xi32, #tpu.memory_space<vmem>>) target_semaphore(%run_scoped3A : memref<!tpu.dma_semaphore, #tpu.memory_space<semaphore_mem>>)
      %dma_wait3A_41 = tpu.memref_slice %arg4[%add3A_15] : memref<6400000xi32, #tpu.memory_space<hbm>> -> memref<64xi32, #tpu.memory_space<hbm>>
      %dma_wait3A_42 = tpu.memref_slice %arg4[%add3A_15] : memref<6400000xi32, #tpu.memory_space<hbm>> -> memref<64xi32, #tpu.memory_space<hbm>>
      tpu.wait_dma2 semaphore(%run_scoped3A : memref<!tpu.dma_semaphore, #tpu.memory_space<semaphore_mem>>) src(%dma_wait3A_42 : memref<64xi32, #tpu.memory_space<hbm>>) dst(%arg11 : memref<64xi32, #tpu.memory_space<vmem>>)
      tpu.yield
    }) : () -> ()
    %dma_start3A = arith.constant 0 : i32
    %dma_start3A_16 = arith.constant 0 : i32
    %dma_start3A_17 = tpu.memref_slice %arg12[%dma_start3A, %dma_start3A_16] : memref<128x16xf32, #tpu.memory_space<vmem>> -> memref<64x16xf32, #tpu.memory_space<vmem>>
    %dma_start3A_18 = arith.constant 0 : i32
    %dma_start3A_19 = arith.constant 0 : i32
    %dma_start3A_20 = tpu.memref_slice %arg2[%dma_start3A_18, %dma_start3A_19] : memref<100000x16xf32, #tpu.memory_space<hbm>> -> memref<100000x16xf32, #tpu.memory_space<hbm>>
    tpu.enqueue_indirect_dma source(%dma_start3A_20 : memref<100000x16xf32, #tpu.memory_space<hbm>>) target(%dma_start3A_17 : memref<64x16xf32, #tpu.memory_space<vmem>>) offsets(%arg10 : memref<64xi32, #tpu.memory_space<vmem>>) semaphore(%arg15 : memref<!tpu.dma_semaphore, #tpu.memory_space<semaphore_mem>>)
    %dma_wait3A = arith.constant 0 : i32
    %dma_wait3A_21 = arith.constant 0 : i32
    %dma_wait3A_22 = tpu.memref_slice %arg12[%dma_wait3A, %dma_wait3A_21] : memref<128x16xf32, #tpu.memory_space<vmem>> -> memref<64x16xf32, #tpu.memory_space<vmem>>
    %dma_wait3A_23 = arith.constant 0 : i32
    %dma_wait3A_24 = arith.constant 0 : i32
    %dma_wait3A_25 = tpu.memref_slice %arg2[%dma_wait3A_23, %dma_wait3A_24] : memref<100000x16xf32, #tpu.memory_space<hbm>> -> memref<100000x16xf32, #tpu.memory_space<hbm>>
    tpu.wait_indirect_dma semaphore(%arg15 : memref<!tpu.dma_semaphore, #tpu.memory_space<semaphore_mem>>) src(%dma_wait3A_25 : memref<100000x16xf32, #tpu.memory_space<hbm>>) dst(%dma_wait3A_22 : memref<64x16xf32, #tpu.memory_space<vmem>>)
    "tpu.region"() ({
      %run_scoped3A = tpu.sem_alloc : memref<!tpu.dma_semaphore, #tpu.memory_space<semaphore_mem>>
      %dma_start3A_39 = arith.constant 0 : i32
      %dma_start3A_40 = arith.constant 0 : i32
      %dma_start3A_41 = tpu.memref_slice %arg12[%dma_start3A_39, %dma_start3A_40] : memref<128x16xf32, #tpu.memory_space<vmem>> -> memref<64x16xf32, #tpu.memory_space<vmem>>
      %dma_start3A_42 = arith.constant 0 : i32
      %dma_start3A_43 = arith.constant 0 : i32
      %dma_start3A_44 = tpu.memref_slice %arg7[%dma_start3A_42, %dma_start3A_43] : memref<100000x16xf32, #tpu.memory_space<vmem_shared>> -> memref<100000x16xf32, #tpu.memory_space<vmem_shared>>
      tpu.enqueue_indirect_dma source(%dma_start3A_41 : memref<64x16xf32, #tpu.memory_space<vmem>>) target(%dma_start3A_44 : memref<100000x16xf32, #tpu.memory_space<vmem_shared>>) offsets(%arg11 : memref<64xi32, #tpu.memory_space<vmem>>) semaphore(%run_scoped3A : memref<!tpu.dma_semaphore, #tpu.memory_space<semaphore_mem>>) {add = true}
      %dma_wait3A_45 = arith.constant 0 : i32
      %dma_wait3A_46 = arith.constant 0 : i32
      %dma_wait3A_47 = tpu.memref_slice %arg12[%dma_wait3A_45, %dma_wait3A_46] : memref<128x16xf32, #tpu.memory_space<vmem>> -> memref<64x16xf32, #tpu.memory_space<vmem>>
      %dma_wait3A_48 = arith.constant 0 : i32
      %dma_wait3A_49 = arith.constant 0 : i32
      %dma_wait3A_50 = tpu.memref_slice %arg7[%dma_wait3A_48, %dma_wait3A_49] : memref<100000x16xf32, #tpu.memory_space<vmem_shared>> -> memref<100000x16xf32, #tpu.memory_space<vmem_shared>>
      tpu.wait_indirect_dma semaphore(%run_scoped3A : memref<!tpu.dma_semaphore, #tpu.memory_space<semaphore_mem>>) src(%dma_wait3A_47 : memref<64x16xf32, #tpu.memory_space<vmem>>) dst(%dma_wait3A_50 : memref<100000x16xf32, #tpu.memory_space<vmem_shared>>)
      tpu.yield
    }) : () -> ()
    %barrier3A_26 = arith.constant 0 : index
    tpu.barrier barrier_id(%barrier3A_26)
    %mul3A_27 = arith.constant 5000 : i32
    %mul3A_28 = arith.muli %arg1, %mul3A_27 : i32
    %mul3A_29 = arith.constant 100000 : i32
    %mul3A_30 = arith.muli %arg0, %mul3A_29 : i32
    %mul3A_31 = arith.constant 5000 : i32
    %mul3A_32 = arith.muli %arg1, %mul3A_31 : i32
    %add3A_33 = arith.addi %mul3A_30, %mul3A_32 : i32
    "tpu.region"() ({
      %run_scoped3A = tpu.sem_alloc : memref<!tpu.dma_semaphore, #tpu.memory_space<semaphore_mem>>
      %dma_start3A_39 = arith.constant 0 : i32
      %dma_start3A_40 = tpu.memref_slice %arg6[%add3A_33, %dma_start3A_39] : memref<200000x16xf32, #tpu.memory_space<hbm>> -> memref<5000x16xf32, #tpu.memory_space<hbm>>
      %dma_start3A_41 = arith.constant 0 : i32
      %dma_start3A_42 = tpu.memref_slice %arg7[%mul3A_28, %dma_start3A_41] : memref<100000x16xf32, #tpu.memory_space<vmem_shared>> -> memref<5000x16xf32, #tpu.memory_space<vmem_shared>>
      tpu.enqueue_dma source(%dma_start3A_42 : memref<5000x16xf32, #tpu.memory_space<vmem_shared>>) target(%dma_start3A_40 : memref<5000x16xf32, #tpu.memory_space<hbm>>) target_semaphore(%run_scoped3A : memref<!tpu.dma_semaphore, #tpu.memory_space<semaphore_mem>>)
      %dma_wait3A_43 = arith.constant 0 : i32
      %dma_wait3A_44 = tpu.memref_slice %arg6[%add3A_33, %dma_wait3A_43] : memref<200000x16xf32, #tpu.memory_space<hbm>> -> memref<5000x16xf32, #tpu.memory_space<hbm>>
      %dma_wait3A_45 = arith.constant 0 : i32
      %dma_wait3A_46 = tpu.memref_slice %arg7[%mul3A_28, %dma_wait3A_45] : memref<100000x16xf32, #tpu.memory_space<vmem_shared>> -> memref<5000x16xf32, #tpu.memory_space<vmem_shared>>
      tpu.wait_dma2 semaphore(%run_scoped3A : memref<!tpu.dma_semaphore, #tpu.memory_space<semaphore_mem>>) src(%dma_wait3A_46 : memref<5000x16xf32, #tpu.memory_space<vmem_shared>>) dst(%dma_wait3A_44 : memref<5000x16xf32, #tpu.memory_space<hbm>>)
      tpu.yield
    }) : () -> ()
    %lt3A_34 = arith.constant 4 : i32
    %lt3A_35 = arith.cmpi slt, %arg1, %lt3A_34 : i32
    %convert_element_type3A_36 = arith.extui %lt3A_35 : i1 to i32
    %cond3A_37 = arith.constant 0 : i32
    %cond3A_38 = arith.cmpi ne, %convert_element_type3A_36, %cond3A_37 : i32
    scf.if %cond3A_38 {
      %add3A_39 = arith.constant 16 : i32
      %add3A_40 = arith.addi %add3A_39, %arg1 : i32
      %mul3A_41 = arith.constant 5000 : i32
      %mul3A_42 = arith.muli %add3A_40, %mul3A_41 : i32
      %mul3A_43 = arith.constant 100000 : i32
      %mul3A_44 = arith.muli %arg0, %mul3A_43 : i32
      %add3A_45 = arith.constant 16 : i32
      %add3A_46 = arith.addi %add3A_45, %arg1 : i32
      %mul3A_47 = arith.constant 5000 : i32
      %mul3A_48 = arith.muli %add3A_46, %mul3A_47 : i32
      %add3A_49 = arith.addi %mul3A_44, %mul3A_48 : i32
      "tpu.region"() ({
        %run_scoped3A = tpu.sem_alloc : memref<!tpu.dma_semaphore, #tpu.memory_space<semaphore_mem>>
        %dma_start3A_50 = arith.constant 0 : i32
        %dma_start3A_51 = tpu.memref_slice %arg6[%add3A_49, %dma_start3A_50] : memref<200000x16xf32, #tpu.memory_space<hbm>> -> memref<5000x16xf32, #tpu.memory_space<hbm>>
        %dma_start3A_52 = arith.constant 0 : i32
        %dma_start3A_53 = tpu.memref_slice %arg7[%mul3A_42, %dma_start3A_52] : memref<100000x16xf32, #tpu.memory_space<vmem_shared>> -> memref<5000x16xf32, #tpu.memory_space<vmem_shared>>
        tpu.enqueue_dma source(%dma_start3A_53 : memref<5000x16xf32, #tpu.memory_space<vmem_shared>>) target(%dma_start3A_51 : memref<5000x16xf32, #tpu.memory_space<hbm>>) target_semaphore(%run_scoped3A : memref<!tpu.dma_semaphore, #tpu.memory_space<semaphore_mem>>)
        %dma_wait3A_54 = arith.constant 0 : i32
        %dma_wait3A_55 = tpu.memref_slice %arg6[%add3A_49, %dma_wait3A_54] : memref<200000x16xf32, #tpu.memory_space<hbm>> -> memref<5000x16xf32, #tpu.memory_space<hbm>>
        %dma_wait3A_56 = arith.constant 0 : i32
        %dma_wait3A_57 = tpu.memref_slice %arg7[%mul3A_42, %dma_wait3A_56] : memref<100000x16xf32, #tpu.memory_space<vmem_shared>> -> memref<5000x16xf32, #tpu.memory_space<vmem_shared>>
        tpu.wait_dma2 semaphore(%run_scoped3A : memref<!tpu.dma_semaphore, #tpu.memory_space<semaphore_mem>>) src(%dma_wait3A_57 : memref<5000x16xf32, #tpu.memory_space<vmem_shared>>) dst(%dma_wait3A_55 : memref<5000x16xf32, #tpu.memory_space<hbm>>)
        tpu.yield
      }) : () -> ()
    } else {
    }
    return
  }
}

#map = affine_map<(d0, d1) -> (0, 0)>
#map1 = affine_map<(d0, d1) -> (0)>
module attributes {stable_mosaic.version = 14 : i64} {
  func.func @body(%arg0: i32, %arg1: i32, %arg2: memref<100000x16xf32, #tpu.memory_space<hbm>>, %arg3: memref<6400000xi32, #tpu.memory_space<hbm>>, %arg4: memref<6400000xi32, #tpu.memory_space<hbm>>, %arg5: memref<100000x16xf32, #tpu.memory_space<hbm>>, %arg6: memref<200000x16xf32, #tpu.memory_space<hbm>>, %arg7: memref<100000x16xf32, #tpu.memory_space<vmem_shared>>, %arg8: memref<128xi32, #tpu.memory_space<vmem>>, %arg9: memref<128xi32, #tpu.memory_space<vmem>>, %arg10: memref<64xi32, #tpu.memory_space<vmem>>, %arg11: memref<64xi32, #tpu.memory_space<vmem>>, %arg12: memref<128x16xf32, #tpu.memory_space<vmem>>, %arg13: memref<!tpu.dma_semaphore, #tpu.memory_space<semaphore_mem>>, %arg14: memref<!tpu.dma_semaphore, #tpu.memory_space<semaphore_mem>>, %arg15: memref<!tpu.dma_semaphore, #tpu.memory_space<semaphore_mem>>) attributes {dimension_semantics = [#tpu.dimension_semantics<core_parallel>, #tpu.dimension_semantics<subcore_parallel>], iteration_bounds = array<i64: 2, 16>, scalar_prefetch = 0 : i64, scratch_operands = 9 : i64, tpu.core_type = #tpu.core_type<sc_vector_subcore>, window_params = [{transform_indices = #map}, {transform_indices = #map1}, {transform_indices = #map1}, {transform_indices = #map}, {transform_indices = #map}]} {
    %mul3A = arith.constant 16 : i32
    %mul3A_0 = arith.muli %arg0, %mul3A : i32
    %add3A = arith.addi %mul3A_0, %arg1 : i32
    %mul3A_1 = arith.constant 5000 : i32
    %mul3A_2 = arith.muli %arg1, %mul3A_1 : i32
    %mul3A_3 = arith.constant 5000 : i32
    %mul3A_4 = arith.muli %arg1, %mul3A_3 : i32
    "tpu.region"() ({
      %run_scoped3A = tpu.sem_alloc : memref<!tpu.dma_semaphore, #tpu.memory_space<semaphore_mem>>
      %dma_start3A_39 = arith.constant 0 : i32
      %dma_start3A_40 = tpu.memref_slice %arg7[%mul3A_4, %dma_start3A_39] : memref<100000x16xf32, #tpu.memory_space<vmem_shared>> -> memref<5000x16xf32, #tpu.memory_space<vmem_shared>>
      %dma_start3A_41 = arith.constant 0 : i32
      %dma_start3A_42 = tpu.memref_slice %arg5[%mul3A_2, %dma_start3A_41] : memref<100000x16xf32, #tpu.memory_space<hbm>> -> memref<5000x16xf32, #tpu.memory_space<hbm>>
      tpu.enqueue_dma source(%dma_start3A_42 : memref<5000x16xf32, #tpu.memory_space<hbm>>) target(%dma_start3A_40 : memref<5000x16xf32, #tpu.memory_space<vmem_shared>>) target_semaphore(%run_scoped3A : memref<!tpu.dma_semaphore, #tpu.memory_space<semaphore_mem>>)
      %dma_wait3A_43 = arith.constant 0 : i32
      %dma_wait3A_44 = tpu.memref_slice %arg7[%mul3A_4, %dma_wait3A_43] : memref<100000x16xf32, #tpu.memory_space<vmem_shared>> -> memref<5000x16xf32, #tpu.memory_space<vmem_shared>>
      %dma_wait3A_45 = arith.constant 0 : i32
      %dma_wait3A_46 = tpu.memref_slice %arg5[%mul3A_2, %dma_wait3A_45] : memref<100000x16xf32, #tpu.memory_space<hbm>> -> memref<5000x16xf32, #tpu.memory_space<hbm>>
      tpu.wait_dma2 semaphore(%run_scoped3A : memref<!tpu.dma_semaphore, #tpu.memory_space<semaphore_mem>>) src(%dma_wait3A_46 : memref<5000x16xf32, #tpu.memory_space<hbm>>) dst(%dma_wait3A_44 : memref<5000x16xf32, #tpu.memory_space<vmem_shared>>)
      tpu.yield
    }) : () -> ()
    %lt3A = arith.constant 4 : i32
    %lt3A_5 = arith.cmpi slt, %arg1, %lt3A : i32
    %convert_element_type3A = arith.extui %lt3A_5 : i1 to i32
    %cond3A = arith.constant 0 : i32
    %cond3A_6 = arith.cmpi ne, %convert_element_type3A, %cond3A : i32
    scf.if %cond3A_6 {
      %add3A_39 = arith.constant 16 : i32
      %add3A_40 = arith.addi %add3A_39, %arg1 : i32
      %mul3A_41 = arith.constant 5000 : i32
      %mul3A_42 = arith.muli %add3A_40, %mul3A_41 : i32
      %add3A_43 = arith.constant 16 : i32
      %add3A_44 = arith.addi %add3A_43, %arg1 : i32
      %mul3A_45 = arith.constant 5000 : i32
      %mul3A_46 = arith.muli %add3A_44, %mul3A_45 : i32
      "tpu.region"() ({
        %run_scoped3A = tpu.sem_alloc : memref<!tpu.dma_semaphore, #tpu.memory_space<semaphore_mem>>
        %dma_start3A_47 = arith.constant 0 : i32
        %dma_start3A_48 = tpu.memref_slice %arg7[%mul3A_46, %dma_start3A_47] : memref<100000x16xf32, #tpu.memory_space<vmem_shared>> -> memref<5000x16xf32, #tpu.memory_space<vmem_shared>>
        %dma_start3A_49 = arith.constant 0 : i32
        %dma_start3A_50 = tpu.memref_slice %arg5[%mul3A_42, %dma_start3A_49] : memref<100000x16xf32, #tpu.memory_space<hbm>> -> memref<5000x16xf32, #tpu.memory_space<hbm>>
        tpu.enqueue_dma source(%dma_start3A_50 : memref<5000x16xf32, #tpu.memory_space<hbm>>) target(%dma_start3A_48 : memref<5000x16xf32, #tpu.memory_space<vmem_shared>>) target_semaphore(%run_scoped3A : memref<!tpu.dma_semaphore, #tpu.memory_space<semaphore_mem>>)
        %dma_wait3A_51 = arith.constant 0 : i32
        %dma_wait3A_52 = tpu.memref_slice %arg7[%mul3A_46, %dma_wait3A_51] : memref<100000x16xf32, #tpu.memory_space<vmem_shared>> -> memref<5000x16xf32, #tpu.memory_space<vmem_shared>>
        %dma_wait3A_53 = arith.constant 0 : i32
        %dma_wait3A_54 = tpu.memref_slice %arg5[%mul3A_42, %dma_wait3A_53] : memref<100000x16xf32, #tpu.memory_space<hbm>> -> memref<5000x16xf32, #tpu.memory_space<hbm>>
        tpu.wait_dma2 semaphore(%run_scoped3A : memref<!tpu.dma_semaphore, #tpu.memory_space<semaphore_mem>>) src(%dma_wait3A_54 : memref<5000x16xf32, #tpu.memory_space<hbm>>) dst(%dma_wait3A_52 : memref<5000x16xf32, #tpu.memory_space<vmem_shared>>)
        tpu.yield
      }) : () -> ()
    } else {
    }
    %barrier3A = arith.constant 0 : index
    tpu.barrier barrier_id(%barrier3A)
    %mul3A_7 = arith.constant 200000 : i32
    %mul3A_8 = arith.muli %add3A, %mul3A_7 : i32
    %scan3A = arith.constant 0 : i32
    %scan3A_9 = arith.constant 0 : i32
    %scan3A_10 = arith.constant 1562 : i32
    %scan3A_11 = arith.addi %scan3A_9, %scan3A_10 : i32
    %scan3A_12 = arith.constant 1 : i32
    scf.for %scan3A_39 = %scan3A_9 to %scan3A_11 step %scan3A_12  : i32 {
      %mul3A_40 = arith.constant 128 : i32
      %mul3A_41 = arith.muli %scan3A_39, %mul3A_40 : i32
      %add3A_42 = arith.addi %mul3A_8, %mul3A_41 : i32
      %dma_start3A_43 = tpu.memref_slice %arg3[%add3A_42] : memref<6400000xi32, #tpu.memory_space<hbm>> -> memref<128xi32, #tpu.memory_space<hbm>>
      %dma_start3A_44 = tpu.memref_slice %arg3[%add3A_42] : memref<6400000xi32, #tpu.memory_space<hbm>> -> memref<128xi32, #tpu.memory_space<hbm>>
      tpu.enqueue_dma source(%dma_start3A_44 : memref<128xi32, #tpu.memory_space<hbm>>) target(%arg8 : memref<128xi32, #tpu.memory_space<vmem>>) target_semaphore(%arg13 : memref<!tpu.dma_semaphore, #tpu.memory_space<semaphore_mem>>)
      %dma_start3A_45 = tpu.memref_slice %arg4[%add3A_42] : memref<6400000xi32, #tpu.memory_space<hbm>> -> memref<128xi32, #tpu.memory_space<hbm>>
      %dma_start3A_46 = tpu.memref_slice %arg4[%add3A_42] : memref<6400000xi32, #tpu.memory_space<hbm>> -> memref<128xi32, #tpu.memory_space<hbm>>
      tpu.enqueue_dma source(%dma_start3A_46 : memref<128xi32, #tpu.memory_space<hbm>>) target(%arg9 : memref<128xi32, #tpu.memory_space<vmem>>) target_semaphore(%arg14 : memref<!tpu.dma_semaphore, #tpu.memory_space<semaphore_mem>>)
      %dma_wait3A_47 = tpu.memref_slice %arg3[%add3A_42] : memref<6400000xi32, #tpu.memory_space<hbm>> -> memref<128xi32, #tpu.memory_space<hbm>>
      %dma_wait3A_48 = tpu.memref_slice %arg3[%add3A_42] : memref<6400000xi32, #tpu.memory_space<hbm>> -> memref<128xi32, #tpu.memory_space<hbm>>
      tpu.wait_dma2 semaphore(%arg13 : memref<!tpu.dma_semaphore, #tpu.memory_space<semaphore_mem>>) src(%dma_wait3A_48 : memref<128xi32, #tpu.memory_space<hbm>>) dst(%arg8 : memref<128xi32, #tpu.memory_space<vmem>>)
      %dma_start3A_49 = arith.constant 0 : i32
      %dma_start3A_50 = arith.constant 0 : i32
      %dma_start3A_51 = tpu.memref_slice %arg2[%dma_start3A_49, %dma_start3A_50] : memref<100000x16xf32, #tpu.memory_space<hbm>> -> memref<100000x16xf32, #tpu.memory_space<hbm>>
      tpu.enqueue_indirect_dma source(%dma_start3A_51 : memref<100000x16xf32, #tpu.memory_space<hbm>>) target(%arg12 : memref<128x16xf32, #tpu.memory_space<vmem>>) offsets(%arg8 : memref<128xi32, #tpu.memory_space<vmem>>) semaphore(%arg15 : memref<!tpu.dma_semaphore, #tpu.memory_space<semaphore_mem>>)
      %dma_wait3A_52 = arith.constant 0 : i32
      %dma_wait3A_53 = arith.constant 0 : i32
      %dma_wait3A_54 = tpu.memref_slice %arg2[%dma_wait3A_52, %dma_wait3A_53] : memref<100000x16xf32, #tpu.memory_space<hbm>> -> memref<100000x16xf32, #tpu.memory_space<hbm>>
      tpu.wait_indirect_dma semaphore(%arg15 : memref<!tpu.dma_semaphore, #tpu.memory_space<semaphore_mem>>) src(%dma_wait3A_54 : memref<100000x16xf32, #tpu.memory_space<hbm>>) dst(%arg12 : memref<128x16xf32, #tpu.memory_space<vmem>>)
      %dma_wait3A_55 = tpu.memref_slice %arg4[%add3A_42] : memref<6400000xi32, #tpu.memory_space<hbm>> -> memref<128xi32, #tpu.memory_space<hbm>>
      %dma_wait3A_56 = tpu.memref_slice %arg4[%add3A_42] : memref<6400000xi32, #tpu.memory_space<hbm>> -> memref<128xi32, #tpu.memory_space<hbm>>
      tpu.wait_dma2 semaphore(%arg14 : memref<!tpu.dma_semaphore, #tpu.memory_space<semaphore_mem>>) src(%dma_wait3A_56 : memref<128xi32, #tpu.memory_space<hbm>>) dst(%arg9 : memref<128xi32, #tpu.memory_space<vmem>>)
      "tpu.region"() ({
        %run_scoped3A = tpu.sem_alloc : memref<!tpu.dma_semaphore, #tpu.memory_space<semaphore_mem>>
        %dma_start3A_57 = arith.constant 0 : i32
        %dma_start3A_58 = arith.constant 0 : i32
        %dma_start3A_59 = tpu.memref_slice %arg7[%dma_start3A_57, %dma_start3A_58] : memref<100000x16xf32, #tpu.memory_space<vmem_shared>> -> memref<100000x16xf32, #tpu.memory_space<vmem_shared>>
        tpu.enqueue_indirect_dma source(%arg12 : memref<128x16xf32, #tpu.memory_space<vmem>>) target(%dma_start3A_59 : memref<100000x16xf32, #tpu.memory_space<vmem_shared>>) offsets(%arg9 : memref<128xi32, #tpu.memory_space<vmem>>) semaphore(%run_scoped3A : memref<!tpu.dma_semaphore, #tpu.memory_space<semaphore_mem>>) {add = true}
        %dma_wait3A_60 = arith.constant 0 : i32
        %dma_wait3A_61 = arith.constant 0 : i32
        %dma_wait3A_62 = tpu.memref_slice %arg7[%dma_wait3A_60, %dma_wait3A_61] : memref<100000x16xf32, #tpu.memory_space<vmem_shared>> -> memref<100000x16xf32, #tpu.memory_space<vmem_shared>>
        tpu.wait_indirect_dma semaphore(%run_scoped3A : memref<!tpu.dma_semaphore, #tpu.memory_space<semaphore_mem>>) src(%arg12 : memref<128x16xf32, #tpu.memory_space<vmem>>) dst(%dma_wait3A_62 : memref<100000x16xf32, #tpu.memory_space<vmem_shared>>)
        tpu.yield
      }) : () -> ()
    }
    %scan3A_13 = arith.constant 1562 : i32
    %add3A_14 = arith.constant 199936 : i32
    %add3A_15 = arith.addi %mul3A_8, %add3A_14 : i32
    "tpu.region"() ({
      %run_scoped3A = tpu.sem_alloc : memref<!tpu.dma_semaphore, #tpu.memory_space<semaphore_mem>>
      %dma_start3A_39 = tpu.memref_slice %arg3[%add3A_15] : memref<6400000xi32, #tpu.memory_space<hbm>> -> memref<64xi32, #tpu.memory_space<hbm>>
      %dma_start3A_40 = tpu.memref_slice %arg3[%add3A_15] : memref<6400000xi32, #tpu.memory_space<hbm>> -> memref<64xi32, #tpu.memory_space<hbm>>
      tpu.enqueue_dma source(%dma_start3A_40 : memref<64xi32, #tpu.memory_space<hbm>>) target(%arg10 : memref<64xi32, #tpu.memory_space<vmem>>) target_semaphore(%run_scoped3A : memref<!tpu.dma_semaphore, #tpu.memory_space<semaphore_mem>>)
      %dma_wait3A_41 = tpu.memref_slice %arg3[%add3A_15] : memref<6400000xi32, #tpu.memory_space<hbm>> -> memref<64xi32, #tpu.memory_space<hbm>>
      %dma_wait3A_42 = tpu.memref_slice %arg3[%add3A_15] : memref<6400000xi32, #tpu.memory_space<hbm>> -> memref<64xi32, #tpu.memory_space<hbm>>
      tpu.wait_dma2 semaphore(%run_scoped3A : memref<!tpu.dma_semaphore, #tpu.memory_space<semaphore_mem>>) src(%dma_wait3A_42 : memref<64xi32, #tpu.memory_space<hbm>>) dst(%arg10 : memref<64xi32, #tpu.memory_space<vmem>>)
      tpu.yield
    }) : () -> ()
    "tpu.region"() ({
      %run_scoped3A = tpu.sem_alloc : memref<!tpu.dma_semaphore, #tpu.memory_space<semaphore_mem>>
      %dma_start3A_39 = tpu.memref_slice %arg4[%add3A_15] : memref<6400000xi32, #tpu.memory_space<hbm>> -> memref<64xi32, #tpu.memory_space<hbm>>
      %dma_start3A_40 = tpu.memref_slice %arg4[%add3A_15] : memref<6400000xi32, #tpu.memory_space<hbm>> -> memref<64xi32, #tpu.memory_space<hbm>>
      tpu.enqueue_dma source(%dma_start3A_40 : memref<64xi32, #tpu.memory_space<hbm>>) target(%arg11 : memref<64xi32, #tpu.memory_space<vmem>>) target_semaphore(%run_scoped3A : memref<!tpu.dma_semaphore, #tpu.memory_space<semaphore_mem>>)
      %dma_wait3A_41 = tpu.memref_slice %arg4[%add3A_15] : memref<6400000xi32, #tpu.memory_space<hbm>> -> memref<64xi32, #tpu.memory_space<hbm>>
      %dma_wait3A_42 = tpu.memref_slice %arg4[%add3A_15] : memref<6400000xi32, #tpu.memory_space<hbm>> -> memref<64xi32, #tpu.memory_space<hbm>>
      tpu.wait_dma2 semaphore(%run_scoped3A : memref<!tpu.dma_semaphore, #tpu.memory_space<semaphore_mem>>) src(%dma_wait3A_42 : memref<64xi32, #tpu.memory_space<hbm>>) dst(%arg11 : memref<64xi32, #tpu.memory_space<vmem>>)
      tpu.yield
    }) : () -> ()
    %dma_start3A = arith.constant 0 : i32
    %dma_start3A_16 = arith.constant 0 : i32
    %dma_start3A_17 = tpu.memref_slice %arg12[%dma_start3A, %dma_start3A_16] : memref<128x16xf32, #tpu.memory_space<vmem>> -> memref<64x16xf32, #tpu.memory_space<vmem>>
    %dma_start3A_18 = arith.constant 0 : i32
    %dma_start3A_19 = arith.constant 0 : i32
    %dma_start3A_20 = tpu.memref_slice %arg2[%dma_start3A_18, %dma_start3A_19] : memref<100000x16xf32, #tpu.memory_space<hbm>> -> memref<100000x16xf32, #tpu.memory_space<hbm>>
    tpu.enqueue_indirect_dma source(%dma_start3A_20 : memref<100000x16xf32, #tpu.memory_space<hbm>>) target(%dma_start3A_17 : memref<64x16xf32, #tpu.memory_space<vmem>>) offsets(%arg10 : memref<64xi32, #tpu.memory_space<vmem>>) semaphore(%arg15 : memref<!tpu.dma_semaphore, #tpu.memory_space<semaphore_mem>>)
    %dma_wait3A = arith.constant 0 : i32
    %dma_wait3A_21 = arith.constant 0 : i32
    %dma_wait3A_22 = tpu.memref_slice %arg12[%dma_wait3A, %dma_wait3A_21] : memref<128x16xf32, #tpu.memory_space<vmem>> -> memref<64x16xf32, #tpu.memory_space<vmem>>
    %dma_wait3A_23 = arith.constant 0 : i32
    %dma_wait3A_24 = arith.constant 0 : i32
    %dma_wait3A_25 = tpu.memref_slice %arg2[%dma_wait3A_23, %dma_wait3A_24] : memref<100000x16xf32, #tpu.memory_space<hbm>> -> memref<100000x16xf32, #tpu.memory_space<hbm>>
    tpu.wait_indirect_dma semaphore(%arg15 : memref<!tpu.dma_semaphore, #tpu.memory_space<semaphore_mem>>) src(%dma_wait3A_25 : memref<100000x16xf32, #tpu.memory_space<hbm>>) dst(%dma_wait3A_22 : memref<64x16xf32, #tpu.memory_space<vmem>>)
    "tpu.region"() ({
      %run_scoped3A = tpu.sem_alloc : memref<!tpu.dma_semaphore, #tpu.memory_space<semaphore_mem>>
      %dma_start3A_39 = arith.constant 0 : i32
      %dma_start3A_40 = arith.constant 0 : i32
      %dma_start3A_41 = tpu.memref_slice %arg12[%dma_start3A_39, %dma_start3A_40] : memref<128x16xf32, #tpu.memory_space<vmem>> -> memref<64x16xf32, #tpu.memory_space<vmem>>
      %dma_start3A_42 = arith.constant 0 : i32
      %dma_start3A_43 = arith.constant 0 : i32
      %dma_start3A_44 = tpu.memref_slice %arg7[%dma_start3A_42, %dma_start3A_43] : memref<100000x16xf32, #tpu.memory_space<vmem_shared>> -> memref<100000x16xf32, #tpu.memory_space<vmem_shared>>
      tpu.enqueue_indirect_dma source(%dma_start3A_41 : memref<64x16xf32, #tpu.memory_space<vmem>>) target(%dma_start3A_44 : memref<100000x16xf32, #tpu.memory_space<vmem_shared>>) offsets(%arg11 : memref<64xi32, #tpu.memory_space<vmem>>) semaphore(%run_scoped3A : memref<!tpu.dma_semaphore, #tpu.memory_space<semaphore_mem>>) {add = true}
      %dma_wait3A_45 = arith.constant 0 : i32
      %dma_wait3A_46 = arith.constant 0 : i32
      %dma_wait3A_47 = tpu.memref_slice %arg12[%dma_wait3A_45, %dma_wait3A_46] : memref<128x16xf32, #tpu.memory_space<vmem>> -> memref<64x16xf32, #tpu.memory_space<vmem>>
      %dma_wait3A_48 = arith.constant 0 : i32
      %dma_wait3A_49 = arith.constant 0 : i32
      %dma_wait3A_50 = tpu.memref_slice %arg7[%dma_wait3A_48, %dma_wait3A_49] : memref<100000x16xf32, #tpu.memory_space<vmem_shared>> -> memref<100000x16xf32, #tpu.memory_space<vmem_shared>>
      tpu.wait_indirect_dma semaphore(%run_scoped3A : memref<!tpu.dma_semaphore, #tpu.memory_space<semaphore_mem>>) src(%dma_wait3A_47 : memref<64x16xf32, #tpu.memory_space<vmem>>) dst(%dma_wait3A_50 : memref<100000x16xf32, #tpu.memory_space<vmem_shared>>)
      tpu.yield
    }) : () -> ()
    %barrier3A_26 = arith.constant 0 : index
    tpu.barrier barrier_id(%barrier3A_26)
    %mul3A_27 = arith.constant 5000 : i32
    %mul3A_28 = arith.muli %arg1, %mul3A_27 : i32
    %mul3A_29 = arith.constant 100000 : i32
    %mul3A_30 = arith.muli %arg0, %mul3A_29 : i32
    %mul3A_31 = arith.constant 5000 : i32
    %mul3A_32 = arith.muli %arg1, %mul3A_31 : i32
    %add3A_33 = arith.addi %mul3A_30, %mul3A_32 : i32
    "tpu.region"() ({
      %run_scoped3A = tpu.sem_alloc : memref<!tpu.dma_semaphore, #tpu.memory_space<semaphore_mem>>
      %dma_start3A_39 = arith.constant 0 : i32
      %dma_start3A_40 = tpu.memref_slice %arg6[%add3A_33, %dma_start3A_39] : memref<200000x16xf32, #tpu.memory_space<hbm>> -> memref<5000x16xf32, #tpu.memory_space<hbm>>
      %dma_start3A_41 = arith.constant 0 : i32
      %dma_start3A_42 = tpu.memref_slice %arg7[%mul3A_28, %dma_start3A_41] : memref<100000x16xf32, #tpu.memory_space<vmem_shared>> -> memref<5000x16xf32, #tpu.memory_space<vmem_shared>>
      tpu.enqueue_dma source(%dma_start3A_42 : memref<5000x16xf32, #tpu.memory_space<vmem_shared>>) target(%dma_start3A_40 : memref<5000x16xf32, #tpu.memory_space<hbm>>) target_semaphore(%run_scoped3A : memref<!tpu.dma_semaphore, #tpu.memory_space<semaphore_mem>>)
      %dma_wait3A_43 = arith.constant 0 : i32
      %dma_wait3A_44 = tpu.memref_slice %arg6[%add3A_33, %dma_wait3A_43] : memref<200000x16xf32, #tpu.memory_space<hbm>> -> memref<5000x16xf32, #tpu.memory_space<hbm>>
      %dma_wait3A_45 = arith.constant 0 : i32
      %dma_wait3A_46 = tpu.memref_slice %arg7[%mul3A_28, %dma_wait3A_45] : memref<100000x16xf32, #tpu.memory_space<vmem_shared>> -> memref<5000x16xf32, #tpu.memory_space<vmem_shared>>
      tpu.wait_dma2 semaphore(%run_scoped3A : memref<!tpu.dma_semaphore, #tpu.memory_space<semaphore_mem>>) src(%dma_wait3A_46 : memref<5000x16xf32, #tpu.memory_space<vmem_shared>>) dst(%dma_wait3A_44 : memref<5000x16xf32, #tpu.memory_space<hbm>>)
      tpu.yield
    }) : () -> ()
    %lt3A_34 = arith.constant 4 : i32
    %lt3A_35 = arith.cmpi slt, %arg1, %lt3A_34 : i32
    %convert_element_type3A_36 = arith.extui %lt3A_35 : i1 to i32
    %cond3A_37 = arith.constant 0 : i32
    %cond3A_38 = arith.cmpi ne, %convert_element_type3A_36, %cond3A_37 : i32
    scf.if %cond3A_38 {
      %add3A_39 = arith.constant 16 : i32
      %add3A_40 = arith.addi %add3A_39, %arg1 : i32
      %mul3A_41 = arith.constant 5000 : i32
      %mul3A_42 = arith.muli %add3A_40, %mul3A_41 : i32
      %mul3A_43 = arith.constant 100000 : i32
      %mul3A_44 = arith.muli %arg0, %mul3A_43 : i32
      %add3A_45 = arith.constant 16 : i32
      %add3A_46 = arith.addi %add3A_45, %arg1 : i32
      %mul3A_47 = arith.constant 5000 : i32
      %mul3A_48 = arith.muli %add3A_46, %mul3A_47 : i32
      %add3A_49 = arith.addi %mul3A_44, %mul3A_48 : i32
      "tpu.region"() ({
        %run_scoped3A = tpu.sem_alloc : memref<!tpu.dma_semaphore, #tpu.memory_space<semaphore_mem>>
        %dma_start3A_50 = arith.constant 0 : i32
        %dma_start3A_51 = tpu.memref_slice %arg6[%add3A_49, %dma_start3A_50] : memref<200000x16xf32, #tpu.memory_space<hbm>> -> memref<5000x16xf32, #tpu.memory_space<hbm>>
        %dma_start3A_52 = arith.constant 0 : i32
        %dma_start3A_53 = tpu.memref_slice %arg7[%mul3A_42, %dma_start3A_52] : memref<100000x16xf32, #tpu.memory_space<vmem_shared>> -> memref<5000x16xf32, #tpu.memory_space<vmem_shared>>
        tpu.enqueue_dma source(%dma_start3A_53 : memref<5000x16xf32, #tpu.memory_space<vmem_shared>>) target(%dma_start3A_51 : memref<5000x16xf32, #tpu.memory_space<hbm>>) target_semaphore(%run_scoped3A : memref<!tpu.dma_semaphore, #tpu.memory_space<semaphore_mem>>)
        %dma_wait3A_54 = arith.constant 0 : i32
        %dma_wait3A_55 = tpu.memref_slice %arg6[%add3A_49, %dma_wait3A_54] : memref<200000x16xf32, #tpu.memory_space<hbm>> -> memref<5000x16xf32, #tpu.memory_space<hbm>>
        %dma_wait3A_56 = arith.constant 0 : i32
        %dma_wait3A_57 = tpu.memref_slice %arg7[%mul3A_42, %dma_wait3A_56] : memref<100000x16xf32, #tpu.memory_space<vmem_shared>> -> memref<5000x16xf32, #tpu.memory_space<vmem_shared>>
        tpu.wait_dma2 semaphore(%run_scoped3A : memref<!tpu.dma_semaphore, #tpu.memory_space<semaphore_mem>>) src(%dma_wait3A_57 : memref<5000x16xf32, #tpu.memory_space<vmem_shared>>) dst(%dma_wait3A_55 : memref<5000x16xf32, #tpu.memory_space<hbm>>)
        tpu.yield
      }) : () -> ()
    } else {
    }
    return
  }
}

#map = affine_map<(d0, d1) -> (0)>
#map1 = affine_map<(d0, d1) -> (0, 0)>
module attributes {stable_mosaic.version = 14 : i64} {
  func.func @body(%arg0: i32, %arg1: i32, %arg2: memref<6400000xi32, #tpu.memory_space<hbm>>, %arg3: memref<100000x16xf32, #tpu.memory_space<hbm>>, %arg4: memref<128x16xf32, #tpu.memory_space<hbm>>, %arg5: memref<200000x16xf32, #tpu.memory_space<hbm>>, %arg6: memref<100000x16xf32, #tpu.memory_space<vmem_shared>>, %arg7: memref<128xi32, #tpu.memory_space<vmem>>, %arg8: memref<64xi32, #tpu.memory_space<vmem>>, %arg9: memref<128x16xf32, #tpu.memory_space<vmem>>, %arg10: memref<!tpu.dma_semaphore, #tpu.memory_space<semaphore_mem>>) attributes {dimension_semantics = [#tpu.dimension_semantics<core_parallel>, #tpu.dimension_semantics<subcore_parallel>], iteration_bounds = array<i64: 2, 16>, scalar_prefetch = 0 : i64, scratch_operands = 5 : i64, tpu.core_type = #tpu.core_type<sc_vector_subcore>, window_params = [{transform_indices = #map}, {transform_indices = #map1}, {transform_indices = #map1}, {transform_indices = #map1}]} {
    %mul3A = arith.constant 16 : i32
    %mul3A_0 = arith.muli %arg0, %mul3A : i32
    %add3A = arith.addi %mul3A_0, %arg1 : i32
    %mul3A_1 = arith.constant 5000 : i32
    %mul3A_2 = arith.muli %arg1, %mul3A_1 : i32
    %mul3A_3 = arith.constant 5000 : i32
    %mul3A_4 = arith.muli %arg1, %mul3A_3 : i32
    "tpu.region"() ({
      %run_scoped3A = tpu.sem_alloc : memref<!tpu.dma_semaphore, #tpu.memory_space<semaphore_mem>>
      %dma_start3A = arith.constant 0 : i32
      %dma_start3A_29 = tpu.memref_slice %arg6[%mul3A_4, %dma_start3A] : memref<100000x16xf32, #tpu.memory_space<vmem_shared>> -> memref<5000x16xf32, #tpu.memory_space<vmem_shared>>
      %dma_start3A_30 = arith.constant 0 : i32
      %dma_start3A_31 = tpu.memref_slice %arg3[%mul3A_2, %dma_start3A_30] : memref<100000x16xf32, #tpu.memory_space<hbm>> -> memref<5000x16xf32, #tpu.memory_space<hbm>>
      tpu.enqueue_dma source(%dma_start3A_31 : memref<5000x16xf32, #tpu.memory_space<hbm>>) target(%dma_start3A_29 : memref<5000x16xf32, #tpu.memory_space<vmem_shared>>) target_semaphore(%run_scoped3A : memref<!tpu.dma_semaphore, #tpu.memory_space<semaphore_mem>>)
      %dma_wait3A = arith.constant 0 : i32
      %dma_wait3A_32 = tpu.memref_slice %arg6[%mul3A_4, %dma_wait3A] : memref<100000x16xf32, #tpu.memory_space<vmem_shared>> -> memref<5000x16xf32, #tpu.memory_space<vmem_shared>>
      %dma_wait3A_33 = arith.constant 0 : i32
      %dma_wait3A_34 = tpu.memref_slice %arg3[%mul3A_2, %dma_wait3A_33] : memref<100000x16xf32, #tpu.memory_space<hbm>> -> memref<5000x16xf32, #tpu.memory_space<hbm>>
      tpu.wait_dma2 semaphore(%run_scoped3A : memref<!tpu.dma_semaphore, #tpu.memory_space<semaphore_mem>>) src(%dma_wait3A_34 : memref<5000x16xf32, #tpu.memory_space<hbm>>) dst(%dma_wait3A_32 : memref<5000x16xf32, #tpu.memory_space<vmem_shared>>)
      tpu.yield
    }) : () -> ()
    %lt3A = arith.constant 4 : i32
    %lt3A_5 = arith.cmpi slt, %arg1, %lt3A : i32
    %convert_element_type3A = arith.extui %lt3A_5 : i1 to i32
    %cond3A = arith.constant 0 : i32
    %cond3A_6 = arith.cmpi ne, %convert_element_type3A, %cond3A : i32
    scf.if %cond3A_6 {
      %add3A_29 = arith.constant 16 : i32
      %add3A_30 = arith.addi %add3A_29, %arg1 : i32
      %mul3A_31 = arith.constant 5000 : i32
      %mul3A_32 = arith.muli %add3A_30, %mul3A_31 : i32
      %add3A_33 = arith.constant 16 : i32
      %add3A_34 = arith.addi %add3A_33, %arg1 : i32
      %mul3A_35 = arith.constant 5000 : i32
      %mul3A_36 = arith.muli %add3A_34, %mul3A_35 : i32
      "tpu.region"() ({
        %run_scoped3A = tpu.sem_alloc : memref<!tpu.dma_semaphore, #tpu.memory_space<semaphore_mem>>
        %dma_start3A = arith.constant 0 : i32
        %dma_start3A_37 = tpu.memref_slice %arg6[%mul3A_36, %dma_start3A] : memref<100000x16xf32, #tpu.memory_space<vmem_shared>> -> memref<5000x16xf32, #tpu.memory_space<vmem_shared>>
        %dma_start3A_38 = arith.constant 0 : i32
        %dma_start3A_39 = tpu.memref_slice %arg3[%mul3A_32, %dma_start3A_38] : memref<100000x16xf32, #tpu.memory_space<hbm>> -> memref<5000x16xf32, #tpu.memory_space<hbm>>
        tpu.enqueue_dma source(%dma_start3A_39 : memref<5000x16xf32, #tpu.memory_space<hbm>>) target(%dma_start3A_37 : memref<5000x16xf32, #tpu.memory_space<vmem_shared>>) target_semaphore(%run_scoped3A : memref<!tpu.dma_semaphore, #tpu.memory_space<semaphore_mem>>)
        %dma_wait3A = arith.constant 0 : i32
        %dma_wait3A_40 = tpu.memref_slice %arg6[%mul3A_36, %dma_wait3A] : memref<100000x16xf32, #tpu.memory_space<vmem_shared>> -> memref<5000x16xf32, #tpu.memory_space<vmem_shared>>
        %dma_wait3A_41 = arith.constant 0 : i32
        %dma_wait3A_42 = tpu.memref_slice %arg3[%mul3A_32, %dma_wait3A_41] : memref<100000x16xf32, #tpu.memory_space<hbm>> -> memref<5000x16xf32, #tpu.memory_space<hbm>>
        tpu.wait_dma2 semaphore(%run_scoped3A : memref<!tpu.dma_semaphore, #tpu.memory_space<semaphore_mem>>) src(%dma_wait3A_42 : memref<5000x16xf32, #tpu.memory_space<hbm>>) dst(%dma_wait3A_40 : memref<5000x16xf32, #tpu.memory_space<vmem_shared>>)
        tpu.yield
      }) : () -> ()
    } else {
    }
    "tpu.region"() ({
      %run_scoped3A = tpu.sem_alloc : memref<!tpu.dma_semaphore, #tpu.memory_space<semaphore_mem>>
      tpu.enqueue_dma source(%arg4 : memref<128x16xf32, #tpu.memory_space<hbm>>) target(%arg9 : memref<128x16xf32, #tpu.memory_space<vmem>>) target_semaphore(%run_scoped3A : memref<!tpu.dma_semaphore, #tpu.memory_space<semaphore_mem>>)
      tpu.wait_dma2 semaphore(%run_scoped3A : memref<!tpu.dma_semaphore, #tpu.memory_space<semaphore_mem>>) src(%arg4 : memref<128x16xf32, #tpu.memory_space<hbm>>) dst(%arg9 : memref<128x16xf32, #tpu.memory_space<vmem>>)
      tpu.yield
    }) : () -> ()
    %barrier3A = arith.constant 0 : index
    tpu.barrier barrier_id(%barrier3A)
    %mul3A_7 = arith.constant 200000 : i32
    %mul3A_8 = arith.muli %add3A, %mul3A_7 : i32
    %scan3A = arith.constant 0 : i32
    %scan3A_9 = arith.constant 0 : i32
    %scan3A_10 = arith.constant 1562 : i32
    %scan3A_11 = arith.addi %scan3A_9, %scan3A_10 : i32
    %scan3A_12 = arith.constant 1 : i32
    scf.for %scan3A_29 = %scan3A_9 to %scan3A_11 step %scan3A_12  : i32 {
      %mul3A_30 = arith.constant 128 : i32
      %mul3A_31 = arith.muli %scan3A_29, %mul3A_30 : i32
      %add3A_32 = arith.addi %mul3A_8, %mul3A_31 : i32
      "tpu.region"() ({
        %run_scoped3A = tpu.sem_alloc : memref<!tpu.dma_semaphore, #tpu.memory_space<semaphore_mem>>
        %dma_start3A = tpu.memref_slice %arg2[%add3A_32] : memref<6400000xi32, #tpu.memory_space<hbm>> -> memref<128xi32, #tpu.memory_space<hbm>>
        %dma_start3A_33 = tpu.memref_slice %arg2[%add3A_32] : memref<6400000xi32, #tpu.memory_space<hbm>> -> memref<128xi32, #tpu.memory_space<hbm>>
        tpu.enqueue_dma source(%dma_start3A_33 : memref<128xi32, #tpu.memory_space<hbm>>) target(%arg7 : memref<128xi32, #tpu.memory_space<vmem>>) target_semaphore(%run_scoped3A : memref<!tpu.dma_semaphore, #tpu.memory_space<semaphore_mem>>)
        %dma_wait3A = tpu.memref_slice %arg2[%add3A_32] : memref<6400000xi32, #tpu.memory_space<hbm>> -> memref<128xi32, #tpu.memory_space<hbm>>
        %dma_wait3A_34 = tpu.memref_slice %arg2[%add3A_32] : memref<6400000xi32, #tpu.memory_space<hbm>> -> memref<128xi32, #tpu.memory_space<hbm>>
        tpu.wait_dma2 semaphore(%run_scoped3A : memref<!tpu.dma_semaphore, #tpu.memory_space<semaphore_mem>>) src(%dma_wait3A_34 : memref<128xi32, #tpu.memory_space<hbm>>) dst(%arg7 : memref<128xi32, #tpu.memory_space<vmem>>)
        tpu.yield
      }) : () -> ()
      "tpu.region"() ({
        %run_scoped3A = tpu.sem_alloc : memref<!tpu.dma_semaphore, #tpu.memory_space<semaphore_mem>>
        %dma_start3A = arith.constant 0 : i32
        %dma_start3A_33 = arith.constant 0 : i32
        %dma_start3A_34 = tpu.memref_slice %arg6[%dma_start3A, %dma_start3A_33] : memref<100000x16xf32, #tpu.memory_space<vmem_shared>> -> memref<100000x16xf32, #tpu.memory_space<vmem_shared>>
        tpu.enqueue_indirect_dma source(%arg9 : memref<128x16xf32, #tpu.memory_space<vmem>>) target(%dma_start3A_34 : memref<100000x16xf32, #tpu.memory_space<vmem_shared>>) offsets(%arg7 : memref<128xi32, #tpu.memory_space<vmem>>) semaphore(%run_scoped3A : memref<!tpu.dma_semaphore, #tpu.memory_space<semaphore_mem>>) {add = true}
        %dma_wait3A = arith.constant 0 : i32
        %dma_wait3A_35 = arith.constant 0 : i32
        %dma_wait3A_36 = tpu.memref_slice %arg6[%dma_wait3A, %dma_wait3A_35] : memref<100000x16xf32, #tpu.memory_space<vmem_shared>> -> memref<100000x16xf32, #tpu.memory_space<vmem_shared>>
        tpu.wait_indirect_dma semaphore(%run_scoped3A : memref<!tpu.dma_semaphore, #tpu.memory_space<semaphore_mem>>) src(%arg9 : memref<128x16xf32, #tpu.memory_space<vmem>>) dst(%dma_wait3A_36 : memref<100000x16xf32, #tpu.memory_space<vmem_shared>>)
        tpu.yield
      }) : () -> ()
    }
    %scan3A_13 = arith.constant 1562 : i32
    %add3A_14 = arith.constant 199936 : i32
    %add3A_15 = arith.addi %mul3A_8, %add3A_14 : i32
    "tpu.region"() ({
      %run_scoped3A = tpu.sem_alloc : memref<!tpu.dma_semaphore, #tpu.memory_space<semaphore_mem>>
      %dma_start3A = tpu.memref_slice %arg2[%add3A_15] : memref<6400000xi32, #tpu.memory_space<hbm>> -> memref<64xi32, #tpu.memory_space<hbm>>
      %dma_start3A_29 = tpu.memref_slice %arg2[%add3A_15] : memref<6400000xi32, #tpu.memory_space<hbm>> -> memref<64xi32, #tpu.memory_space<hbm>>
      tpu.enqueue_dma source(%dma_start3A_29 : memref<64xi32, #tpu.memory_space<hbm>>) target(%arg8 : memref<64xi32, #tpu.memory_space<vmem>>) target_semaphore(%run_scoped3A : memref<!tpu.dma_semaphore, #tpu.memory_space<semaphore_mem>>)
      %dma_wait3A = tpu.memref_slice %arg2[%add3A_15] : memref<6400000xi32, #tpu.memory_space<hbm>> -> memref<64xi32, #tpu.memory_space<hbm>>
      %dma_wait3A_30 = tpu.memref_slice %arg2[%add3A_15] : memref<6400000xi32, #tpu.memory_space<hbm>> -> memref<64xi32, #tpu.memory_space<hbm>>
      tpu.wait_dma2 semaphore(%run_scoped3A : memref<!tpu.dma_semaphore, #tpu.memory_space<semaphore_mem>>) src(%dma_wait3A_30 : memref<64xi32, #tpu.memory_space<hbm>>) dst(%arg8 : memref<64xi32, #tpu.memory_space<vmem>>)
      tpu.yield
    }) : () -> ()
    "tpu.region"() ({
      %run_scoped3A = tpu.sem_alloc : memref<!tpu.dma_semaphore, #tpu.memory_space<semaphore_mem>>
      %dma_start3A = arith.constant 0 : i32
      %dma_start3A_29 = arith.constant 0 : i32
      %dma_start3A_30 = tpu.memref_slice %arg9[%dma_start3A, %dma_start3A_29] : memref<128x16xf32, #tpu.memory_space<vmem>> -> memref<64x16xf32, #tpu.memory_space<vmem>>
      %dma_start3A_31 = arith.constant 0 : i32
      %dma_start3A_32 = arith.constant 0 : i32
      %dma_start3A_33 = tpu.memref_slice %arg6[%dma_start3A_31, %dma_start3A_32] : memref<100000x16xf32, #tpu.memory_space<vmem_shared>> -> memref<100000x16xf32, #tpu.memory_space<vmem_shared>>
      tpu.enqueue_indirect_dma source(%dma_start3A_30 : memref<64x16xf32, #tpu.memory_space<vmem>>) target(%dma_start3A_33 : memref<100000x16xf32, #tpu.memory_space<vmem_shared>>) offsets(%arg8 : memref<64xi32, #tpu.memory_space<vmem>>) semaphore(%run_scoped3A : memref<!tpu.dma_semaphore, #tpu.memory_space<semaphore_mem>>) {add = true}
      %dma_wait3A = arith.constant 0 : i32
      %dma_wait3A_34 = arith.constant 0 : i32
      %dma_wait3A_35 = tpu.memref_slice %arg9[%dma_wait3A, %dma_wait3A_34] : memref<128x16xf32, #tpu.memory_space<vmem>> -> memref<64x16xf32, #tpu.memory_space<vmem>>
      %dma_wait3A_36 = arith.constant 0 : i32
      %dma_wait3A_37 = arith.constant 0 : i32
      %dma_wait3A_38 = tpu.memref_slice %arg6[%dma_wait3A_36, %dma_wait3A_37] : memref<100000x16xf32, #tpu.memory_space<vmem_shared>> -> memref<100000x16xf32, #tpu.memory_space<vmem_shared>>
      tpu.wait_indirect_dma semaphore(%run_scoped3A : memref<!tpu.dma_semaphore, #tpu.memory_space<semaphore_mem>>) src(%dma_wait3A_35 : memref<64x16xf32, #tpu.memory_space<vmem>>) dst(%dma_wait3A_38 : memref<100000x16xf32, #tpu.memory_space<vmem_shared>>)
      tpu.yield
    }) : () -> ()
    %barrier3A_16 = arith.constant 0 : index
    tpu.barrier barrier_id(%barrier3A_16)
    %mul3A_17 = arith.constant 5000 : i32
    %mul3A_18 = arith.muli %arg1, %mul3A_17 : i32
    %mul3A_19 = arith.constant 100000 : i32
    %mul3A_20 = arith.muli %arg0, %mul3A_19 : i32
    %mul3A_21 = arith.constant 5000 : i32
    %mul3A_22 = arith.muli %arg1, %mul3A_21 : i32
    %add3A_23 = arith.addi %mul3A_20, %mul3A_22 : i32
    "tpu.region"() ({
      %run_scoped3A = tpu.sem_alloc : memref<!tpu.dma_semaphore, #tpu.memory_space<semaphore_mem>>
      %dma_start3A = arith.constant 0 : i32
      %dma_start3A_29 = tpu.memref_slice %arg5[%add3A_23, %dma_start3A] : memref<200000x16xf32, #tpu.memory_space<hbm>> -> memref<5000x16xf32, #tpu.memory_space<hbm>>
      %dma_start3A_30 = arith.constant 0 : i32
      %dma_start3A_31 = tpu.memref_slice %arg6[%mul3A_18, %dma_start3A_30] : memref<100000x16xf32, #tpu.memory_space<vmem_shared>> -> memref<5000x16xf32, #tpu.memory_space<vmem_shared>>
      tpu.enqueue_dma source(%dma_start3A_31 : memref<5000x16xf32, #tpu.memory_space<vmem_shared>>) target(%dma_start3A_29 : memref<5000x16xf32, #tpu.memory_space<hbm>>) target_semaphore(%run_scoped3A : memref<!tpu.dma_semaphore, #tpu.memory_space<semaphore_mem>>)
      %dma_wait3A = arith.constant 0 : i32
      %dma_wait3A_32 = tpu.memref_slice %arg5[%add3A_23, %dma_wait3A] : memref<200000x16xf32, #tpu.memory_space<hbm>> -> memref<5000x16xf32, #tpu.memory_space<hbm>>
      %dma_wait3A_33 = arith.constant 0 : i32
      %dma_wait3A_34 = tpu.memref_slice %arg6[%mul3A_18, %dma_wait3A_33] : memref<100000x16xf32, #tpu.memory_space<vmem_shared>> -> memref<5000x16xf32, #tpu.memory_space<vmem_shared>>
      tpu.wait_dma2 semaphore(%run_scoped3A : memref<!tpu.dma_semaphore, #tpu.memory_space<semaphore_mem>>) src(%dma_wait3A_34 : memref<5000x16xf32, #tpu.memory_space<vmem_shared>>) dst(%dma_wait3A_32 : memref<5000x16xf32, #tpu.memory_space<hbm>>)
      tpu.yield
    }) : () -> ()
    %lt3A_24 = arith.constant 4 : i32
    %lt3A_25 = arith.cmpi slt, %arg1, %lt3A_24 : i32
    %convert_element_type3A_26 = arith.extui %lt3A_25 : i1 to i32
    %cond3A_27 = arith.constant 0 : i32
    %cond3A_28 = arith.cmpi ne, %convert_element_type3A_26, %cond3A_27 : i32
    scf.if %cond3A_28 {
      %add3A_29 = arith.constant 16 : i32
      %add3A_30 = arith.addi %add3A_29, %arg1 : i32
      %mul3A_31 = arith.constant 5000 : i32
      %mul3A_32 = arith.muli %add3A_30, %mul3A_31 : i32
      %mul3A_33 = arith.constant 100000 : i32
      %mul3A_34 = arith.muli %arg0, %mul3A_33 : i32
      %add3A_35 = arith.constant 16 : i32
      %add3A_36 = arith.addi %add3A_35, %arg1 : i32
      %mul3A_37 = arith.constant 5000 : i32
      %mul3A_38 = arith.muli %add3A_36, %mul3A_37 : i32
      %add3A_39 = arith.addi %mul3A_34, %mul3A_38 : i32
      "tpu.region"() ({
        %run_scoped3A = tpu.sem_alloc : memref<!tpu.dma_semaphore, #tpu.memory_space<semaphore_mem>>
        %dma_start3A = arith.constant 0 : i32
        %dma_start3A_40 = tpu.memref_slice %arg5[%add3A_39, %dma_start3A] : memref<200000x16xf32, #tpu.memory_space<hbm>> -> memref<5000x16xf32, #tpu.memory_space<hbm>>
        %dma_start3A_41 = arith.constant 0 : i32
        %dma_start3A_42 = tpu.memref_slice %arg6[%mul3A_32, %dma_start3A_41] : memref<100000x16xf32, #tpu.memory_space<vmem_shared>> -> memref<5000x16xf32, #tpu.memory_space<vmem_shared>>
        tpu.enqueue_dma source(%dma_start3A_42 : memref<5000x16xf32, #tpu.memory_space<vmem_shared>>) target(%dma_start3A_40 : memref<5000x16xf32, #tpu.memory_space<hbm>>) target_semaphore(%run_scoped3A : memref<!tpu.dma_semaphore, #tpu.memory_space<semaphore_mem>>)
        %dma_wait3A = arith.constant 0 : i32
        %dma_wait3A_43 = tpu.memref_slice %arg5[%add3A_39, %dma_wait3A] : memref<200000x16xf32, #tpu.memory_space<hbm>> -> memref<5000x16xf32, #tpu.memory_space<hbm>>
        %dma_wait3A_44 = arith.constant 0 : i32
        %dma_wait3A_45 = tpu.memref_slice %arg6[%mul3A_32, %dma_wait3A_44] : memref<100000x16xf32, #tpu.memory_space<vmem_shared>> -> memref<5000x16xf32, #tpu.memory_space<vmem_shared>>
        tpu.wait_dma2 semaphore(%run_scoped3A : memref<!tpu.dma_semaphore, #tpu.memory_space<semaphore_mem>>) src(%dma_wait3A_45 : memref<5000x16xf32, #tpu.memory_space<vmem_shared>>) dst(%dma_wait3A_43 : memref<5000x16xf32, #tpu.memory_space<hbm>>)
        tpu.yield
      }) : () -> ()
    } else {
    }
    return
  }
}

module attributes {stable_mosaic.version = 14 : i64} {
  func.func @body(%arg0: i32, %arg1: memref<2x2000x16xf32, #tpu.memory_space<vmem>>, %arg2: memref<2000x5xf32, #tpu.memory_space<vmem>>, %arg3: memref<2000x1xf32, #tpu.memory_space<vmem>>, %arg4: memref<2000x16xf32, #tpu.memory_space<vmem>>) attributes {dimension_semantics = [#tpu.dimension_semantics<arbitrary>], iteration_bounds = array<i64: 50>, scalar_prefetch = 0 : i64, scratch_operands = 0 : i64, tpu.core_type = #tpu.core_type<tc>, window_params = [{transform_indices = @transform_0, window_bounds = array<i64: 2, 2000, 16>}, {transform_indices = @transform_1, window_bounds = array<i64: 2000, 5>}, {transform_indices = @transform_2, window_bounds = array<i64: 2000, 1>}, {transform_indices = @transform_3, window_bounds = array<i64: 2000, 16>}]} {
    %get3A = arith.constant 0 : index
    %get3A_0 = arith.constant 0 : index
    %get3A_1 = arith.constant 0 : index
    %get3A_2 = vector.load %arg1[%get3A, %get3A_0, %get3A_1] : memref<2x2000x16xf32, #tpu.memory_space<vmem>>, vector<1x2000x1xf32>
    %get3A_3 = vector.shape_cast %get3A_2 : vector<1x2000x1xf32> to vector<2000xf32>
    %get3A_4 = arith.constant 1 : index
    %get3A_5 = arith.constant 0 : index
    %get3A_6 = arith.constant 0 : index
    %get3A_7 = vector.load %arg1[%get3A_4, %get3A_5, %get3A_6] : memref<2x2000x16xf32, #tpu.memory_space<vmem>>, vector<1x2000x1xf32>
    %get3A_8 = vector.shape_cast %get3A_7 : vector<1x2000x1xf32> to vector<2000xf32>
    %add3A = arith.addf %get3A_3, %get3A_8 : vector<2000xf32>
    %add3A_9 = arith.constant 1.000000e+00 : f32
    %add3A_10 = vector.broadcast %add3A_9 : f32 to vector<2000xf32>
    %add3A_11 = arith.addf %add3A, %add3A_10 : vector<2000xf32>
    %rsqrt3A = math.rsqrt %add3A_11 : vector<2000xf32>
    %broadcast_in_dim3A = vector.shape_cast %rsqrt3A : vector<2000xf32> to vector<2000x1xf32>
    %swap3A = arith.constant 0 : index
    %swap3A_12 = arith.constant 0 : index
    %swap3A_13 = vector.load %arg3[%swap3A, %swap3A_12] : memref<2000x1xf32, #tpu.memory_space<vmem>>, vector<2000x1xf32>
    tpu.vector_store %arg3[%swap3A, %swap3A_12], %broadcast_in_dim3A {strides = array<i32>} : memref<2000x1xf32, #tpu.memory_space<vmem>>, vector<2000x1xf32>,
    %get3A_14 = arith.constant 0 : index
    %get3A_15 = arith.constant 0 : index
    %get3A_16 = vector.load %arg2[%get3A_14, %get3A_15] : memref<2000x5xf32, #tpu.memory_space<vmem>>, vector<2000x5xf32>
    %broadcast_in_dim3A_17 = vector.shape_cast %rsqrt3A : vector<2000xf32> to vector<2000x1xf32>
    %mul3A = vector.broadcast %broadcast_in_dim3A_17 : vector<2000x1xf32> to vector<2000x5xf32>
    %mul3A_18 = arith.mulf %get3A_16, %mul3A : vector<2000x5xf32>
    %broadcast_in_dim3A_19 = arith.constant 0.000000e+00 : f32
    %broadcast_in_dim3A_20 = vector.broadcast %broadcast_in_dim3A_19 : f32 to vector<2000x11xf32>
    %concatenate3A = tpu.concatenate %mul3A_18, %broadcast_in_dim3A_20 in 1 : vector<2000x5xf32>, vector<2000x11xf32> -> vector<2000x16xf32>
    %swap3A_21 = arith.constant 0 : index
    %swap3A_22 = arith.constant 0 : index
    %swap3A_23 = vector.load %arg4[%swap3A_21, %swap3A_22] : memref<2000x16xf32, #tpu.memory_space<vmem>>, vector<2000x16xf32>
    tpu.vector_store %arg4[%swap3A_21, %swap3A_22], %concatenate3A {strides = array<i32>} : memref<2000x16xf32, #tpu.memory_space<vmem>>, vector<2000x16xf32>,
    return
  }
  func.func @transform_0(%arg0: i32) -> (i32, i32, i32) {
    %c0_i32 = arith.constant 0 : i32
    %c0_i32_0 = arith.constant 0 : i32
    %c0_i32_1 = arith.constant 0 : i32
    return %c0_i32, %arg0, %c0_i32_0 : i32, i32, i32
  }
  func.func @transform_1(%arg0: i32) -> (i32, i32) {
    %c0_i32 = arith.constant 0 : i32
    %c0_i32_0 = arith.constant 0 : i32
    return %arg0, %c0_i32 : i32, i32
  }
  func.func @transform_2(%arg0: i32) -> (i32, i32) {
    %c0_i32 = arith.constant 0 : i32
    %c0_i32_0 = arith.constant 0 : i32
    return %arg0, %c0_i32 : i32, i32
  }
  func.func @transform_3(%arg0: i32) -> (i32, i32) {
    %c0_i32 = arith.constant 0 : i32
    %c0_i32_0 = arith.constant 0 : i32
    return %arg0, %c0_i32 : i32, i32
  }
}

module attributes {stable_mosaic.version = 14 : i64} {
  func.func @body(%arg0: i32, %arg1: memref<2x2000x16xf32, #tpu.memory_space<vmem>>, %arg2: memref<2000x16xf32, #tpu.memory_space<vmem>>, %arg3: memref<2000x1xf32, #tpu.memory_space<vmem>>, %arg4: memref<5x30xf32, #tpu.memory_space<vmem>>, %arg5: memref<30xf32, #tpu.memory_space<vmem>>, %arg6: memref<30x8xf32, #tpu.memory_space<vmem>>, %arg7: memref<2000x16xf32, #tpu.memory_space<vmem>>) attributes {dimension_semantics = [#tpu.dimension_semantics<arbitrary>], iteration_bounds = array<i64: 50>, scalar_prefetch = 0 : i64, scratch_operands = 0 : i64, tpu.core_type = #tpu.core_type<tc>, window_params = [{transform_indices = @transform_0, window_bounds = array<i64: 2, 2000, 16>}, {transform_indices = @transform_1, window_bounds = array<i64: 2000, 16>}, {transform_indices = @transform_2, window_bounds = array<i64: 2000, 1>}, {pipeline_mode = #tpu.pipeline_mode<synchronous>, transform_indices = @transform_3, window_bounds = array<i64: 5, 30>}, {pipeline_mode = #tpu.pipeline_mode<synchronous>, transform_indices = @transform_4, window_bounds = array<i64: 30>}, {pipeline_mode = #tpu.pipeline_mode<synchronous>, transform_indices = @transform_5, window_bounds = array<i64: 30, 8>}, {transform_indices = @transform_6, window_bounds = array<i64: 2000, 16>}]} {
    %get3A = arith.constant 0 : index
    %get3A_0 = arith.constant 0 : index
    %get3A_1 = vector.load %arg3[%get3A, %get3A_0] : memref<2000x1xf32, #tpu.memory_space<vmem>>, vector<2000x1xf32>
    %get3A_2 = arith.constant 0 : index
    %get3A_3 = arith.constant 0 : index
    %get3A_4 = arith.constant 0 : index
    %get3A_5 = vector.load %arg1[%get3A_2, %get3A_3, %get3A_4] : memref<2x2000x16xf32, #tpu.memory_space<vmem>>, vector<1x2000x16xf32>
    %get3A_6 = vector.shape_cast %get3A_5 : vector<1x2000x16xf32> to vector<2000x16xf32>
    %get3A_7 = arith.constant 1 : index
    %get3A_8 = arith.constant 0 : index
    %get3A_9 = arith.constant 0 : index
    %get3A_10 = vector.load %arg1[%get3A_7, %get3A_8, %get3A_9] : memref<2x2000x16xf32, #tpu.memory_space<vmem>>, vector<1x2000x16xf32>
    %get3A_11 = vector.shape_cast %get3A_10 : vector<1x2000x16xf32> to vector<2000x16xf32>
    %add3A = arith.addf %get3A_6, %get3A_11 : vector<2000x16xf32>
    %get3A_12 = arith.constant 0 : index
    %get3A_13 = arith.constant 0 : index
    %get3A_14 = vector.load %arg2[%get3A_12, %get3A_13] : memref<2000x16xf32, #tpu.memory_space<vmem>>, vector<2000x16xf32>
    %add3A_15 = arith.addf %add3A, %get3A_14 : vector<2000x16xf32>
    %mul3A = vector.broadcast %get3A_1 : vector<2000x1xf32> to vector<2000x16xf32>
    %mul3A_16 = arith.mulf %mul3A, %add3A_15 : vector<2000x16xf32>
    %slice3A = vector.extract_strided_slice %mul3A_16 {offsets = [0, 0], sizes = [2000, 5], strides = [1, 1]} : vector<2000x16xf32> to vector<2000x5xf32>
    %get3A_17 = arith.constant 0 : index
    %get3A_18 = arith.constant 0 : index
    %get3A_19 = vector.load %arg4[%get3A_17, %get3A_18] : memref<5x30xf32, #tpu.memory_space<vmem>>, vector<5x30xf32>
    %dot_general3A = arith.constant dense<0.000000e+00> : vector<2000x30xf32>
    %dot_general3A_20 = tpu.matmul %slice3A, %get3A_19, %dot_general3A {dimension_numbers = #tpu.dot_dimension_numbers<[1], [0], [0], [1], [0, 0, 1, 1], [], []>, transpose_lhs_hint = false} : vector<2000x5xf32>, vector<5x30xf32>, vector<2000x30xf32> -> vector<2000x30xf32>
    %get3A_21 = arith.constant 0 : index
    %get3A_22 = vector.load %arg5[%get3A_21] : memref<30xf32, #tpu.memory_space<vmem>>, vector<30xf32>
    %broadcast_in_dim3A = vector.shape_cast %get3A_22 : vector<30xf32> to vector<1x30xf32>
    %add3A_23 = vector.broadcast %broadcast_in_dim3A : vector<1x30xf32> to vector<2000x30xf32>
    %add3A_24 = arith.addf %dot_general3A_20, %add3A_23 : vector<2000x30xf32>
    %max3A = arith.constant 0.000000e+00 : f32
    %max3A_25 = vector.broadcast %max3A : f32 to vector<2000x30xf32>
    %max3A_26 = arith.maximumf %add3A_24, %max3A_25 : vector<2000x30xf32>
    %get3A_27 = arith.constant 0 : index
    %get3A_28 = arith.constant 0 : index
    %get3A_29 = vector.load %arg6[%get3A_27, %get3A_28] : memref<30x8xf32, #tpu.memory_space<vmem>>, vector<30x8xf32>
    %dot_general3A_30 = arith.constant dense<0.000000e+00> : vector<2000x8xf32>
    %dot_general3A_31 = tpu.matmul %max3A_26, %get3A_29, %dot_general3A_30 {dimension_numbers = #tpu.dot_dimension_numbers<[1], [0], [0], [1], [0, 0, 1, 1], [], []>, transpose_lhs_hint = false} : vector<2000x30xf32>, vector<30x8xf32>, vector<2000x8xf32> -> vector<2000x8xf32>
    %broadcast_in_dim3A_32 = arith.constant 0.000000e+00 : f32
    %broadcast_in_dim3A_33 = vector.broadcast %broadcast_in_dim3A_32 : f32 to vector<2000x8xf32>
    %concatenate3A = tpu.concatenate %dot_general3A_31, %broadcast_in_dim3A_33 in 1 : vector<2000x8xf32>, vector<2000x8xf32> -> vector<2000x16xf32>
    %mul3A_34 = vector.broadcast %get3A_1 : vector<2000x1xf32> to vector<2000x16xf32>
    %mul3A_35 = arith.mulf %mul3A_34, %concatenate3A : vector<2000x16xf32>
    %swap3A = arith.constant 0 : index
    %swap3A_36 = arith.constant 0 : index
    %swap3A_37 = vector.load %arg7[%swap3A, %swap3A_36] : memref<2000x16xf32, #tpu.memory_space<vmem>>, vector<2000x16xf32>
    tpu.vector_store %arg7[%swap3A, %swap3A_36], %mul3A_35 {strides = array<i32>} : memref<2000x16xf32, #tpu.memory_space<vmem>>, vector<2000x16xf32>,
    return
  }
  func.func @transform_0(%arg0: i32) -> (i32, i32, i32) {
    %c0_i32 = arith.constant 0 : i32
    %c0_i32_0 = arith.constant 0 : i32
    %c0_i32_1 = arith.constant 0 : i32
    return %c0_i32, %arg0, %c0_i32_0 : i32, i32, i32
  }
  func.func @transform_1(%arg0: i32) -> (i32, i32) {
    %c0_i32 = arith.constant 0 : i32
    %c0_i32_0 = arith.constant 0 : i32
    return %arg0, %c0_i32 : i32, i32
  }
  func.func @transform_2(%arg0: i32) -> (i32, i32) {
    %c0_i32 = arith.constant 0 : i32
    %c0_i32_0 = arith.constant 0 : i32
    return %arg0, %c0_i32 : i32, i32
  }
  func.func @transform_3(%arg0: i32) -> (i32, i32) {
    %c0_i32 = arith.constant 0 : i32
    %c0_i32_0 = arith.constant 0 : i32
    %c0_i32_1 = arith.constant 0 : i32
    return %c0_i32, %c0_i32_0 : i32, i32
  }
  func.func @transform_4(%arg0: i32) -> i32 {
    %c0_i32 = arith.constant 0 : i32
    %c0_i32_0 = arith.constant 0 : i32
    return %c0_i32 : i32
  }
  func.func @transform_5(%arg0: i32) -> (i32, i32) {
    %c0_i32 = arith.constant 0 : i32
    %c0_i32_0 = arith.constant 0 : i32
    %c0_i32_1 = arith.constant 0 : i32
    return %c0_i32, %c0_i32_0 : i32, i32
  }
  func.func @transform_6(%arg0: i32) -> (i32, i32) {
    %c0_i32 = arith.constant 0 : i32
    %c0_i32_0 = arith.constant 0 : i32
    return %arg0, %c0_i32 : i32, i32
  }
}

module attributes {stable_mosaic.version = 14 : i64} {
  func.func @body(%arg0: i32, %arg1: memref<2x2000x16xf32, #tpu.memory_space<vmem>>, %arg2: memref<2000x16xf32, #tpu.memory_space<vmem>>, %arg3: memref<2000x1xf32, #tpu.memory_space<vmem>>, %arg4: memref<2000x1xi32, #tpu.memory_space<vmem>>, %arg5: memref<8xf32, #tpu.memory_space<vmem>>, %arg6: memref<128x8xf32, #tpu.memory_space<vmem>>, %arg7: memref<128x1xf32, #tpu.memory_space<vmem>>) attributes {dimension_semantics = [#tpu.dimension_semantics<arbitrary>], iteration_bounds = array<i64: 50>, scalar_prefetch = 0 : i64, scratch_operands = 1 : i64, tpu.core_type = #tpu.core_type<tc>, window_params = [{transform_indices = @transform_0, window_bounds = array<i64: 2, 2000, 16>}, {transform_indices = @transform_1, window_bounds = array<i64: 2000, 16>}, {transform_indices = @transform_2, window_bounds = array<i64: 2000, 1>}, {transform_indices = @transform_3, window_bounds = array<i64: 2000, 1>}, {pipeline_mode = #tpu.pipeline_mode<synchronous>, transform_indices = @transform_4, window_bounds = array<i64: 8>}, {pipeline_mode = #tpu.pipeline_mode<synchronous>, transform_indices = @transform_5, window_bounds = array<i64: 128, 8>}]} {
    %eq3A = arith.constant 0 : i32
    %eq3A_0 = arith.cmpi eq, %arg0, %eq3A : i32
    %convert_element_type3A = arith.extui %eq3A_0 : i1 to i32
    %cond3A = arith.constant 0 : i32
    %cond3A_1 = arith.cmpi ne, %convert_element_type3A, %cond3A : i32
    scf.if %cond3A_1 {
      %broadcast_in_dim3A_47 = arith.constant 0.000000e+00 : f32
      %broadcast_in_dim3A_48 = vector.broadcast %broadcast_in_dim3A_47 : f32 to vector<128x8xf32>
      %swap3A_49 = arith.constant 0 : index
      %swap3A_50 = arith.constant 0 : index
      %swap3A_51 = vector.load %arg6[%swap3A_49, %swap3A_50] : memref<128x8xf32, #tpu.memory_space<vmem>>, vector<128x8xf32>
      tpu.vector_store %arg6[%swap3A_49, %swap3A_50], %broadcast_in_dim3A_48 {strides = array<i32>} : memref<128x8xf32, #tpu.memory_space<vmem>>, vector<128x8xf32>,
      %broadcast_in_dim3A_52 = arith.constant 0.000000e+00 : f32
      %broadcast_in_dim3A_53 = vector.broadcast %broadcast_in_dim3A_52 : f32 to vector<128x1xf32>
      %swap3A_54 = arith.constant 0 : index
      %swap3A_55 = arith.constant 0 : index
      %swap3A_56 = vector.load %arg7[%swap3A_54, %swap3A_55] : memref<128x1xf32, #tpu.memory_space<vmem>>, vector<128x1xf32>
      tpu.vector_store %arg7[%swap3A_54, %swap3A_55], %broadcast_in_dim3A_53 {strides = array<i32>} : memref<128x1xf32, #tpu.memory_space<vmem>>, vector<128x1xf32>,
    } else {
    }
    %get3A = arith.constant 0 : index
    %get3A_2 = arith.constant 0 : index
    %get3A_3 = vector.load %arg3[%get3A, %get3A_2] : memref<2000x1xf32, #tpu.memory_space<vmem>>, vector<2000x1xf32>
    %get3A_4 = arith.constant 0 : index
    %get3A_5 = arith.constant 0 : index
    %get3A_6 = arith.constant 0 : index
    %get3A_7 = vector.load %arg1[%get3A_4, %get3A_5, %get3A_6] : memref<2x2000x16xf32, #tpu.memory_space<vmem>>, vector<1x2000x16xf32>
    %get3A_8 = vector.shape_cast %get3A_7 : vector<1x2000x16xf32> to vector<2000x16xf32>
    %get3A_9 = arith.constant 1 : index
    %get3A_10 = arith.constant 0 : index
    %get3A_11 = arith.constant 0 : index
    %get3A_12 = vector.load %arg1[%get3A_9, %get3A_10, %get3A_11] : memref<2x2000x16xf32, #tpu.memory_space<vmem>>, vector<1x2000x16xf32>
    %get3A_13 = vector.shape_cast %get3A_12 : vector<1x2000x16xf32> to vector<2000x16xf32>
    %add3A = arith.addf %get3A_8, %get3A_13 : vector<2000x16xf32>
    %get3A_14 = arith.constant 0 : index
    %get3A_15 = arith.constant 0 : index
    %get3A_16 = vector.load %arg2[%get3A_14, %get3A_15] : memref<2000x16xf32, #tpu.memory_space<vmem>>, vector<2000x16xf32>
    %add3A_17 = arith.addf %add3A, %get3A_16 : vector<2000x16xf32>
    %mul3A = vector.broadcast %get3A_3 : vector<2000x1xf32> to vector<2000x16xf32>
    %mul3A_18 = arith.mulf %mul3A, %add3A_17 : vector<2000x16xf32>
    %iota3A = tpu.iota {dimensions = array<i32: 0>} : vector<128x2000xi32>
    %get3A_19 = arith.constant 0 : index
    %get3A_20 = arith.constant 0 : index
    %get3A_21 = vector.load %arg4[%get3A_19, %get3A_20] : memref<2000x1xi32, #tpu.memory_space<vmem>>, vector<2000x1xi32>
    %squeeze3A = vector.shape_cast %get3A_21 : vector<2000x1xi32> to vector<2000xi32>
    %broadcast_in_dim3A = vector.shape_cast %squeeze3A : vector<2000xi32> to vector<1x2000xi32>
    %eq3A_22 = vector.broadcast %broadcast_in_dim3A : vector<1x2000xi32> to vector<128x2000xi32>
    %eq3A_23 = arith.cmpi eq, %eq3A_22, %iota3A : vector<128x2000xi32>
    %convert_element_type3A_24 = arith.extui %eq3A_23 : vector<128x2000xi1> to vector<128x2000xi32>
    %convert_element_type3A_25 = arith.sitofp %convert_element_type3A_24 : vector<128x2000xi32> to vector<128x2000xf32>
    %get3A_26 = arith.constant 0 : index
    %get3A_27 = arith.constant 0 : index
    %get3A_28 = vector.load %arg6[%get3A_26, %get3A_27] : memref<128x8xf32, #tpu.memory_space<vmem>>, vector<128x8xf32>
    %slice3A = vector.extract_strided_slice %mul3A_18 {offsets = [0, 0], sizes = [2000, 8], strides = [1, 1]} : vector<2000x16xf32> to vector<2000x8xf32>
    %dot_general3A = arith.constant dense<0.000000e+00> : vector<128x8xf32>
    %dot_general3A_29 = tpu.matmul %convert_element_type3A_25, %slice3A, %dot_general3A {dimension_numbers = #tpu.dot_dimension_numbers<[1], [0], [0], [1], [0, 0, 1, 1], [], []>, transpose_lhs_hint = false} : vector<128x2000xf32>, vector<2000x8xf32>, vector<128x8xf32> -> vector<128x8xf32>
    %add3A_30 = arith.addf %get3A_28, %dot_general3A_29 : vector<128x8xf32>
    %swap3A = arith.constant 0 : index
    %swap3A_31 = arith.constant 0 : index
    %swap3A_32 = vector.load %arg6[%swap3A, %swap3A_31] : memref<128x8xf32, #tpu.memory_space<vmem>>, vector<128x8xf32>
    tpu.vector_store %arg6[%swap3A, %swap3A_31], %add3A_30 {strides = array<i32>} : memref<128x8xf32, #tpu.memory_space<vmem>>, vector<128x8xf32>,
    %get3A_33 = arith.constant 0 : index
    %get3A_34 = arith.constant 0 : index
    %get3A_35 = vector.load %arg7[%get3A_33, %get3A_34] : memref<128x1xf32, #tpu.memory_space<vmem>>, vector<128x1xf32>
    %reduce_sum3A = arith.constant dense<0.000000e+00> : vector<128xf32>
    %reduce_sum3A_36 = vector.multi_reduction <add>, %convert_element_type3A_25, %reduce_sum3A [1] : vector<128x2000xf32> to vector<128xf32>
    %broadcast_in_dim3A_37 = vector.shape_cast %reduce_sum3A_36 : vector<128xf32> to vector<128x1xf32>
    %add3A_38 = arith.addf %get3A_35, %broadcast_in_dim3A_37 : vector<128x1xf32>
    %swap3A_39 = arith.constant 0 : index
    %swap3A_40 = arith.constant 0 : index
    %swap3A_41 = vector.load %arg7[%swap3A_39, %swap3A_40] : memref<128x1xf32, #tpu.memory_space<vmem>>, vector<128x1xf32>
    tpu.vector_store %arg7[%swap3A_39, %swap3A_40], %add3A_38 {strides = array<i32>} : memref<128x1xf32, #tpu.memory_space<vmem>>, vector<128x1xf32>,
    %eq3A_42 = arith.constant 49 : i32
    %eq3A_43 = arith.cmpi eq, %arg0, %eq3A_42 : i32
    %convert_element_type3A_44 = arith.extui %eq3A_43 : i1 to i32
    %cond3A_45 = arith.constant 0 : i32
    %cond3A_46 = arith.cmpi ne, %convert_element_type3A_44, %cond3A_45 : i32
    scf.if %cond3A_46 {
      %get3A_47 = arith.constant 0 : index
      %get3A_48 = arith.constant 0 : index
      %get3A_49 = vector.load %arg7[%get3A_47, %get3A_48] : memref<128x1xf32, #tpu.memory_space<vmem>>, vector<128x1xf32>
      %get3A_50 = arith.constant 0 : index
      %get3A_51 = arith.constant 0 : index
      %get3A_52 = vector.load %arg6[%get3A_50, %get3A_51] : memref<128x8xf32, #tpu.memory_space<vmem>>, vector<128x8xf32>
      %get3A_53 = arith.constant 0 : index
      %get3A_54 = vector.load %arg5[%get3A_53] : memref<8xf32, #tpu.memory_space<vmem>>, vector<8xf32>
      %broadcast_in_dim3A_55 = vector.shape_cast %get3A_54 : vector<8xf32> to vector<1x8xf32>
      %mul3A_56 = vector.broadcast %get3A_49 : vector<128x1xf32> to vector<128x8xf32>
      %mul3A_57 = vector.broadcast %broadcast_in_dim3A_55 : vector<1x8xf32> to vector<128x8xf32>
      %mul3A_58 = arith.mulf %mul3A_56, %mul3A_57 : vector<128x8xf32>
      %add3A_59 = arith.addf %get3A_52, %mul3A_58 : vector<128x8xf32>
      %max3A = arith.constant 1.000000e+00 : f32
      %max3A_60 = vector.broadcast %max3A : f32 to vector<128x1xf32>
      %max3A_61 = arith.maximumf %get3A_49, %max3A_60 : vector<128x1xf32>
      %div3A = vector.broadcast %max3A_61 : vector<128x1xf32> to vector<128x8xf32>
      %div3A_62 = arith.divf %add3A_59, %div3A : vector<128x8xf32>
      %swap3A_63 = arith.constant 0 : index
      %swap3A_64 = arith.constant 0 : index
      %swap3A_65 = vector.load %arg6[%swap3A_63, %swap3A_64] : memref<128x8xf32, #tpu.memory_space<vmem>>, vector<128x8xf32>
      tpu.vector_store %arg6[%swap3A_63, %swap3A_64], %div3A_62 {strides = array<i32>} : memref<128x8xf32, #tpu.memory_space<vmem>>, vector<128x8xf32>,
    } else {
    }
    return
  }
  func.func @transform_0(%arg0: i32) -> (i32, i32, i32) {
    %c0_i32 = arith.constant 0 : i32
    %c0_i32_0 = arith.constant 0 : i32
    %c0_i32_1 = arith.constant 0 : i32
    return %c0_i32, %arg0, %c0_i32_0 : i32, i32, i32
  }
  func.func @transform_1(%arg0: i32) -> (i32, i32) {
    %c0_i32 = arith.constant 0 : i32
    %c0_i32_0 = arith.constant 0 : i32
    return %arg0, %c0_i32 : i32, i32
  }
  func.func @transform_2(%arg0: i32) -> (i32, i32) {
    %c0_i32 = arith.constant 0 : i32
    %c0_i32_0 = arith.constant 0 : i32
    return %arg0, %c0_i32 : i32, i32
  }
  func.func @transform_3(%arg0: i32) -> (i32, i32) {
    %c0_i32 = arith.constant 0 : i32
    %c0_i32_0 = arith.constant 0 : i32
    return %arg0, %c0_i32 : i32, i32
  }
  func.func @transform_4(%arg0: i32) -> i32 {
    %c0_i32 = arith.constant 0 : i32
    %c0_i32_0 = arith.constant 0 : i32
    return %c0_i32 : i32
  }
  func.func @transform_5(%arg0: i32) -> (i32, i32) {
    %c0_i32 = arith.constant 0 : i32
    %c0_i32_0 = arith.constant 0 : i32
    %c0_i32_1 = arith.constant 0 : i32
    return %c0_i32, %c0_i32_0 : i32, i32
  }
}

</mosaic_0001>

<sc_bundles>
// kernel: kernel.11.cloned.1.call-start
scs
__scs_entry_jumppad:
0x0: {  	(pc) =	sbr.rel $0x88, $3  }
0x1: {  	(tag) =	ssettag $0x0;
	lr =	simm.s32 $0x1  }
0x2: {  	[smem:$0x3F9A] =	sst lr;
	_ =	strace $0xD0000000  }
0x3: {  	_ = 	snop  }
0x4: {  	_ = 	snop  }
0x5: {  	_ = 	snop  }
0x6: {  	_ = 	snop  }
0x7: {  	_ = 	snop  }
__scs_overlays_trampoline_lowered:
0x8: {  	[smem:$0x3FA9] =	sst s0  }
0x9: {  	[smem:$0x3FAA] =	sst s1  }
0xa: {  	[smem:$0x3FAB] =	sst s2  }
0xb: {  	[smem:$0x3FAC] =	sst s3  }
0xc: {  	[smem:$0x3FAD] =	sst s4  }
0xd: {  	[smem:$0x3FAE] =	sst s5  }
0xe: {  	[smem:$0x3FAF] =	sst s6  }
0xf: {  	[smem:$0x3FB0] =	sst s7  }
0x10: {  	[smem:$0x3FB1] =	sst s8  }
0x11: {  	[smem:$0x3FB2] =	sst s9;
	s0 =	simm.s32 @!p0 $0x0  }
0x12: {  	s1 =	sld [smem:$0x3F98];
	s0 =	simm.s32 @p0 $0x1  }
0x13: {  	[smem:$0x3FB3] =	sst s0;
	s0 =	simm.s32 @!p1 $0x0  }
0x14: {  	s2 =	sld [smem:$0x3F97];
	s0 =	simm.s32 @p1 $0x1  }
0x15: {  	[smem:$0x3FB4] =	sst s0;
	s0 =	simm.s32 @!p2 $0x0  }
0x16: {  	s3 =	sld [smem:$0x3FDB];
	s0 =	simm.s32 @p2 $0x1  }
0x17: {  	s4 =	simm.s32 $0x1BF5;
	[smem:$0x3FB6] =	sst s0  }
0x18: {  	s0 =	sld [smem:$0x3F99];
	_ =	swait.ge [sflag:s4], $0x0  }
0x19: {  	s7 =	sld [smem:$0x3F9A]  }
0x1a: {  	s8 =	sadd.s32 $0xFFFFE003, lr  }
0x1b: {  	s9 =	sadd.s32 $0xFFFFFEF7, lr;
	s5 =	simm.s32 $0xFFFFFFFF;
	p2 =	slt.u32 s8, $0xFFFFF086  }
0x1c: {  	p1 =	slt.u32 s9, $0xF7A;
	s5 =	simm.s32 @!p2 $0x0  }
0x1d: {  	s5 =	simm.s32 @p1 $0x1;
	p0 =	seq.s32 s7, s2  }
0x1e: {  	s7 =	smul.u32 @!p0 $0xF7A, s2;
	p2 =	seq.s32 @!p0 s5, $0x0  }
0x1f: {  	s9 =	smul.u32 $0xF7A, s1;
	s8 =	simm.s32 @!p0 $0x1BF5;
	p2 =	por !p2, p0  }
0x20: {  	[sflag:s8] =	ssyncset.s32 @!p0 $0xFFFFF086;
	s6 =	sadd.s32 @!p0 s3, s7;
	s7 =	simm.s32 @!p0 $0x108  }
0x21: {  	s3 =	sadd.s32 s3, s9;
	s6 =	sadd.s32 @!p0 $0x88, s6;
	s7 =	simm.s32 @p2 $0x1082  }
0x22: {  	[simem:s7], [sflag:s8] =	dma.local @!p0 [hbm:s6], $0xF7A  }
0x23: {  	s9 =	sor.u32 $0xD0000000, s2;
	s6 =	simm.s32 $0x108;
	_ =	swait.ge @!p0 [sflag:s8], $0x0  }
0x24: {  	s3 =	sadd.s32 $0x88, s3;
	s6 =	simm.s32 @!p1 $0x1082;
	[sflag:s4] =	ssyncset.s32 $0xFFFFF086  }
0x25: {  	[simem:s6], [sflag:s4] =	dma.local [hbm:s3], $0xF7A  }
0x26: {  	[smem:$0x3F9A] =	sst s1;
	(tag) =	ssettag s2;
	_ =	strace s9  }
0x27: {  	s1 =	sld [smem:$0x3FAA]  }
0x28: {  	s2 =	sld [smem:$0x3FAB]  }
0x29: {  	s4 =	sld [smem:$0x3FAD]  }
0x2a: {  	p0 =	seq.s32 s5, $0x0;
	s5 =	sld [smem:$0x3FAE]  }
0x2b: {  	s6 =	sld [smem:$0x3FAF]  }
0x2c: {  	s7 =	sld [smem:$0x3FB0]  }
0x2d: {  	s3 =	simm.s32 $0x108;
	s8 =	sld [smem:$0x3FB1]  }
0x2e: {  	s3 =	simm.s32 @!p0 $0x1082;
	s9 =	sld [smem:$0x3FB2]  }
0x2f: {  	lr =	sadd.s32 s0, s3;
	s0 =	sld [smem:$0x3FA9]  }
0x30: {  	s3 =	sld [smem:$0x3FAC]  }
0x31: {  	[smem:$0x3FB5] =	sst s10  }
0x32: {  	s10 =	sld [smem:$0x3FB3];
	_ =	sdelay $0x3  }
0x33: {  	p0 =	seq.s32 s10, $0x1;
	s10 =	sld [smem:$0x3FB5];
	_ =	sdelay $0x3  }
0x34: {  	[smem:$0x3FB5] =	sst s10  }
0x35: {  	s10 =	sld [smem:$0x3FB4];
	_ =	sdelay $0x3  }
0x36: {  	p1 =	seq.s32 s10, $0x1;
	s10 =	sld [smem:$0x3FB5];
	_ =	sdelay $0x3  }
0x37: {  	[smem:$0x3FB5] =	sst s10  }
0x38: {  	s10 =	sld [smem:$0x3FB6]  }
0x39: {  	_ = 	snop;
	(pc) =	sbr.ind lr, $3  }
0x3a: {  	_ = 	snop  }
0x3b: {  	_ = 	snop  }
0x3c: {  	p2 =	seq.s32 s10, $0x1;
	s10 =	sld [smem:$0x3FB5]  }
0x3d: {  	_ =	shalt  }
0x3e: {  	_ =	shalt  }
0x3f: {  	_ =	shalt  }
0x40: {  	_ =	shalt  }
0x41: {  	_ =	shalt  }
0x42: {  	_ =	shalt  }
0x43: {  	_ =	shalt  }
0x44: {  	_ =	shalt  }
0x45: {  	_ =	shalt  }
0x46: {  	_ =	shalt  }
0x47: {  	_ =	shalt  }
0x48: {  	_ =	shalt  }
0x49: {  	_ =	shalt  }
0x4a: {  	_ =	shalt  }
0x4b: {  	_ =	shalt  }
0x4c: {  	_ =	shalt  }
0x4d: {  	_ =	shalt  }
0x4e: {  	_ =	shalt  }
0x4f: {  	_ =	shalt  }
0x50: {  	_ =	shalt  }
0x51: {  	_ =	shalt  }
0x52: {  	_ =	shalt  }
0x53: {  	_ =	shalt  }
0x54: {  	_ =	shalt  }
0x55: {  	_ =	shalt  }
0x56: {  	_ =	shalt  }
0x57: {  	_ =	shalt  }
0x58: {  	_ =	shalt  }
0x59: {  	_ =	shalt  }
0x5a: {  	_ =	shalt  }
0x5b: {  	_ =	shalt  }
0x5c: {  	_ =	shalt  }
0x5d: {  	_ =	shalt  }
0x5e: {  	_ =	shalt  }
0x5f: {  	_ =	shalt  }
0x60: {  	_ =	shalt  }
0x61: {  	_ =	shalt  }
0x62: {  	_ =	shalt  }
0x63: {  	_ =	shalt  }
0x64: {  	_ =	shalt  }
0x65: {  	_ =	shalt  }
0x66: {  	_ =	shalt  }
0x67: {  	_ =	shalt  }
0x68: {  	_ =	shalt  }
0x69: {  	_ =	shalt  }
0x6a: {  	_ =	shalt  }
0x6b: {  	_ =	shalt  }
0x6c: {  	_ =	shalt  }
0x6d: {  	_ =	shalt  }
0x6e: {  	_ =	shalt  }
0x6f: {  	_ =	shalt  }
0x70: {  	_ =	shalt  }
0x71: {  	_ =	shalt  }
0x72: {  	_ =	shalt  }
0x73: {  	_ =	shalt  }
0x74: {  	_ =	shalt  }
0x75: {  	_ =	shalt  }
0x76: {  	_ =	shalt  }
0x77: {  	_ =	shalt  }
0x78: {  	_ =	shalt  }
0x79: {  	_ =	shalt  }
0x7a: {  	_ =	shalt  }
0x7b: {  	_ =	shalt  }
0x7c: {  	_ =	shalt  }
0x7d: {  	_ =	shalt  }
0x7e: {  	_ =	shalt  }
0x7f: {  	_ =	shalt  }
0x80: {  	_ =	shalt  }
0x81: {  	_ =	shalt  }
0x82: {  	_ =	shalt  }
0x83: {  	_ =	shalt  }
0x84: {  	_ =	shalt  }
0x85: {  	_ =	shalt  }
0x86: {  	_ =	shalt  }
0x87: {  	_ =	shalt  }
.Lfunc_end0:
.L_simem_size_0:
called_computation.1_lowered:
.L_overlay_start_0:
0x88: {  	s2 =	sld [smem:$0x3FD9]  }
0x89: {  	s3 =	sld [smem:$0x3FFE];
	_ =	sdelay $0x1  }
0x8a: {  	s1 =	srdreg.scid  }
0x8b: {  	s0 =	sand.u32 $0x1, s1  }
0x8c: {  	s16 =	sshll.u32 s0, $0xA;
	s2 =	sadd.s32 s3, s2  }
0x8d: {  	s2 =	sadd.s32 s2, s16  }
0x8e: {  	[smem:$0x3FC1] =	sst s2  }
0x8f: {  	_ = 	snop  }
0x90: {  	(tm) =	ssettm $0x1  }
0x91: {  	s17 =	sld [smem:$0x3FFB];
	_ =	sdelay $0x3  }
0x92: {  	_ =	strace s17  }
0x93: {  	s2 =	sld [smem:$0x3FFC];
	_ =	sdelay $0x3  }
0x94: {  	_ =	strace s2  }
0x95: {  	s2 =	sld [smem:$0x3FFD];
	_ =	sdelay $0x3  }
0x96: {  	_ =	strace s2  }
0x97: {  	_ =	strace $0x8FFFFFFF  }
0x98: {  	s18 =	sld [smem:$0x3FDB];
	_ =	sdelay $0x1  }
0x99: {  	s19 =	simm.s32 $_scs_section_size  }
0x9a: {  	s4 =	simm.s32 $_size__tile_overlayer_lowered;
	s5 =	simm.s32 $_tile_overlayer_lowered  }
0x9b: {  	s22 =	simm.s32 $0x1BFF;
	s21 =	sshll.u32 s5, $0x1;
	s2 =	sadd.s32 s19, s18  }
0x9c: {  	s6 =	simm.s32 $0x0;
	s20 =	sshll.u32 s4, $0x1;
	s4 =	sadd.s32 s21, s2  }
0x9d: {  	[timem:s6], [sflag:s22] =	dma.local [hbm:s4], s20  }
0x9e: {  	_ =	swait.ge [sflag:s22], s20  }
0x9f: {  	s3 =	ssub.s32 $0x0, s20;
	[sflag:s22] =	ssyncset.done $0x0  }
0xa0: {  	[sflag:s22] =	ssyncadd.s32 s3;
	_ =	sdelay $0x1  }
0xa1: {  	s23 =	simm.s32 $0x1B8B  }
0xa2: {  	_ =	swait.ge [sflag:s23], $0x1  }
0xa3: {  	[sflag:s23] =	ssyncset.done $0x0  }
0xa4: {  	s25 =	simm.s32 $0x1B8E;
	s24 =	sld [smem:$0x3FFE];
	[sflag:s23] =	ssyncadd.s32 $0xFFFFFFFF  }
0xa5: {  	s26 =	simm.s32 $execute0_lowered;
	[smem:$0x3FD2] =	sst s25  }
0xa6: {  	s4 =	sshll.u32 s26, $0x1;
	_ =	strace $0x80000049;
	[dreg:$0x1] =	wrdreg $0xFFFFFFFF  }
0xa7: {  	s28 =	simm.s32 $_size_execute0_lowered;
	s2 =	sadd.s32 s2, s4;
	[dreg:$0x0] =	wrdreg $0x0  }
0xa8: {  	s4 =	sshll.u32 s28, $0x1;
	[dreg:$0x2] =	wrdreg s2  }
0xa9: {  	[dreg:$0x3] =	wrdreg s4  }
0xaa: {  	[dreg:$0x4] =	wrdreg $0xC0  }
0xab: {  	_ =	task [dreg:s6], $0x5FFFF  }
0xac: {  	[dreg:$0x1] =	wrdreg $0xFFFFFFFF  }
0xad: {  	[dreg:$0x0] =	wrdreg $0x60  }
0xae: {  	[dreg:$0x2] =	wrdreg s24  }
0xaf: {  	[dreg:$0x3] =	wrdreg $0x0  }
0xb0: {  	[dreg:$0x4] =	wrdreg $0x9  }
0xb1: {  	_ =	task.clear_ibuf [dreg:s6], $0x5FFFF;
	_ =	strace $0x90000049  }
0xb2: {  	s29 =	simm.s32 $0x9;
	_ =	strace $0x8000004B  }
0xb3: {  	_ =	swait.ge [sflag:s29], $0x1  }
0xb4: {  	[sflag:s29] =	ssyncadd.s32 $0xFFFFFFFF  }
0xb5: {  	_ =	strace $0x9000004B  }
0xb6: {  	_ =	sfence  }
0xb7: {  	s30 =	sld [smem:$0x0];
	_ =	sdelay $0x2  }
0xb8: {  	s31 =	sshll.u32 s1, $0xD;
	s1 =	sshrl.u32 s1, $0x2  }
0xb9: {  	s3 =	sand.u32 $0x4000, s31;
	s1 =	sadd.s32 s1, s30  }
0xba: {  	s0 =	sor.u32 s3, s0;
	s1 =	sshll.u32 s1, $0x11  }
0xbb: {  	s0 =	sor.u32 s1, s0  }
0xbc: {  	s0 =	sadd.s32 $0x8F2B, s0  }
0xbd: {  	[sflag:s0] =	ssyncadd.remote.s32 $0x1  }
0xbe: {  	_ =	sfence.sel $0xFFFF  }
0xbf: {  	[dreg:$0x0] =	wrdreg $0xFFFFFFFF;
	(pc) =	sbr.abs _section_cstart, $3  }
0xc0: {  	[dreg:$0x1] =	wrdreg $0xFFFFFFFF  }
0xc1: {  	_ =	task.clear_ibuf [dreg:s6], $0x2FFFF;
	_ =	strace $0x9FFFFFFF  }
0xc2: {  	(tm) =	ssettm $0x7FFFFFFF  }
0xc3: {  	_ =	shalt  }
tec
execute0_lowered:
.L_overlay_start_1:
0x0: {  	(tag) =	ssettag $0x1  }
0x1: {  	s0 =	rddreg [dreg:$0x0]  }
0x2: {  	s1 =	rddreg [dreg:$0x1];
	s2 =	simm.s32 $0x0  }
0x3: {  	s3 =	srdreg.scid;
	s20 =	stileid.u32;
	s28 =	simm.s32 $0x187E0  }
0x4: {  	s29 =	simm.s32 $0x40;
	s30 =	simm.s32 $0x0;
	[smem:$0x7FF] =	sst s2  }
0x5: {  	s4 =	sadd.s32 $0x1B9600, s0;
	s15 =	sadd.s32 $0x1C00, s0;
	s3 =	sand.u32 $0x1, s3  }
0x6: {  	s14 =	sadd.s32 $0xC5200, s0;
	s8 =	sadd.s32 $0x188800, s0;
	s9 =	smul.u32 $0x13880, s20  }
0x7: {  	s0 =	sadd.s32 $0x1EA400, s0;
	s10 =	smul.u32 $0x1388, s20;
	s11 =	sshll.u32 s20, $0x6  }
0x8: {  	p0 =	sgt.u32 s20, $0x3;
	_ =	strace $0x8000004A;
	s16 =	smul.u32 $0x186A0, s3  }
0x9: {  	s5 =	ssub.s32 $0x2, s3;
	s17 =	sshll.u32 s3, $0x4;
	s3 =	smul.u32 $0x30D400, s3  }
0xa: {  	s6 =	sshrl.u32 s5, $0x1;
	s18 =	sor.u32 s20, s17;
	s19 =	sadd.s32 s9, s1  }
0xb: {  	s7 =	sshrl.u32 s9, $0x3;
	s9 =	sadd.s32 $0x138800, s9;
	s13 =	ssub.s32 s5, s6  }
0xc: {  	[dreg:$0x3] =	wrdreg s19;
	s12 =	smul.u32 $0x30D40, s18;
	s21 =	sadd.s32 s8, s7  }
0xd: {  	s7 =	sor.u32 $0x1C04, s11;
	s22 =	sshrl.u32 s9, $0x3;
	s17 =	sadd.s32 s9, s1  }
0xe: {  	s25 =	sadd.s32 s10, s16;
	s18 =	sadd.s32 $0x13880, s10;
	s19 =	smul.u32 $0x30D40, s20  }
0xf: {  	s20 =	simm.s32 $0x1;
	[dreg:$0x4] =	wrdreg s21;
	s23 =	sadd.s32 s8, s22  }
0x10: {  	s26 =	sadd.s32 s16, s18;
	s31 =	sshll.u32 s18, $0x4;
	s13 =	smax.u32 s13, $0x1  }
0x11: {  	s16 =	simm.s32 $0x4;
	s17 =	sshrl.u32 @!p0 s17, $0x3;
	s18 =	simm.s32 $0x186A0  }
0x12: {  	s21 =	simm.s32 $0x80;
	s22 =	simm.s32 $0x18820;
	s12 =	sshrl.u32 s12, $0x3  }
0x13: {  	[dreg:$0x5] =	wrdreg s23;
	s3 =	sadd.s32 s19, s3;
	s19 =	simm.s32 $0x18720  }
0x14: {  	s23 =	simm.s32 $0x3;
	s24 =	sadd.s32 $0x61A0, s12;
	s12 =	sshll.u32 s25, $0x1  }
0x15: {  	s3 =	sshrl.u32 s3, $0x3;
	s9 =	sadd.s32 s15, s24;
	s10 =	sadd.s32 s14, s24  }
0x16: {  	s11 =	sadd.s32 s0, s12;
	s12 =	sshll.u32 s26, $0x1;
	s14 =	sadd.s32 s3, s14  }
0x17: {  	s15 =	sadd.s32 s3, s15;
	s12 =	sadd.s32 s0, s12;
	s0 =	sadd.s32 s31, s1  }
0x18: {  	s24 =	simm.s32 $0x2;
	s26 =	simm.s32 $0x187A0;
	s25 =	sshrl.u32 @!p0 s0, $0x3  }
.LBB2_1:
0x19: {  	s0 =	rddreg [dreg:$0x3]  }
0x1a: {  	s5 =	rddreg [dreg:$0x4];
	s31 =	sshrl.u32 s0, $0x3  }
0x1b: {  	[spmem:s31], [sflag:s7] =	dma.local [hbm:s5], $0x2710  }
0x1c: {  	_ =	swait.ge [sflag:s16], $0x2710  }
0x1d: {  	[sflag:s16] =	ssyncset.done $0x0  }
0x1e: {  	s0 =	rddreg [dreg:$0x5];
	[sflag:s16] =	ssyncadd.s32 $0xFFFFD8F0  }
0x1f: {  	[spmem:s17], [sflag:s7] =	dma.local @!p0 [hbm:s0], $0x2710  }
0x20: {  	s0 =	simm.s32 @!p0 $0x4  }
0x21: {  	_ =	swait.ge @!p0 [sflag:s0], $0x2710  }
0x22: {  	[sflag:s0] =	ssyncset.done @!p0 $0x0  }
0x23: {  	[sflag:s0] =	ssyncadd.s32 @!p0 $0xFFFFD8F0  }
0x24: {  	s6 =	sadd.s32 $0x0, s15;
	[bflag:$0x0] =	sbarrier.arrive $0xFFFF  }
0x25: {  	[tilespmem:s18], [sflag:$0x1] =	stream.linear.gather [hbm4b:s6+s2], $0x80, $0x38;
	[tilespmem:$0x19020] =	vst v63  }
0x26: {  	s8 =	sadd.s32 $0x0, s14  }
0x27: {  	[tilespmem:s19], [sflag:$0x2] =	stream.linear.gather [hbm4b:s8+s2], $0x80, $0x38;
	[tilespmem:$0x19020] =	vst v63  }
0x28: {  	_ =	swait.ge [sflag:s20], $0x80  }
0x29: {  	[sflag:s20] =	ssyncset.done $0x0  }
0x2a: {  	[sflag:s20] =	ssyncadd.s32 $0xFFFFFF80  }
0x2b: {  	[tilespmem:s22], [sflag:$0x3] =	stream.indirect.gather [hbm4b:s4+s21], $0x10, s18, s21, $0xb8;
	[tilespmem:$0x19020] =	vst v63  }
0x2c: {  	_ =	swait.ge [sflag:s23], $0x800  }
0x2d: {  	[sflag:s23] =	ssyncset.done $0x0  }
0x2e: {  	[sflag:s23] =	ssyncadd.s32 $0xFFFFF800  }
0x2f: {  	_ =	swait.ge [sflag:s24], $0x80  }
0x30: {  	[sflag:s24] =	ssyncset.done $0x0  }
0x31: {  	[sflag:s24] =	ssyncadd.s32 $0xFFFFFF80  }
0x32: {  	[spmem:s1] =	stream.indirect.scatter.add.f32 [tilespmem:s22], [sflag:$0x4], $0x10, s19, s21, $0xb8;
	[tilespmem:$0x19020] =	vst v63  }
0x33: {  	_ =	swait.ge [sflag:s16], $0x800  }
0x34: {  	s3 =	simm.s32 $0x20;
	s0 =	simm.s32 $0x10;
	[sflag:s16] =	ssyncset.done $0x0  }
.LBB2_2:
0x35: {  	s5 =	sadd.s32 s0, s15  }
0x36: {  	[sflag:s16] =	ssyncadd.s32 $0xFFFFF800;
	s6 =	smov.u32 s3;
	s8 =	sadd.s32 $0x10, s3  }
0x37: {  	[tilespmem:s18], [sflag:$0x1] =	stream.linear.gather [hbm4b:s5+s2], $0x80, $0x38;
	[tilespmem:$0x19020] =	vst v63  }
0x38: {  	p1 =	sne.s32 s3, $0x6190;
	s3 =	sadd.s32 s0, s14;
	s0 =	smov.u32 s6  }
0x39: {  	[tilespmem:s19], [sflag:$0x2] =	stream.linear.gather [hbm4b:s3+s2], $0x80, $0x38;
	[tilespmem:$0x19020] =	vst v63  }
0x3a: {  	_ =	swait.ge [sflag:s20], $0x80  }
0x3b: {  	[sflag:s20] =	ssyncset.done $0x0  }
0x3c: {  	[sflag:s20] =	ssyncadd.s32 $0xFFFFFF80  }
0x3d: {  	[tilespmem:s22], [sflag:$0x3] =	stream.indirect.gather [hbm4b:s4+s21], $0x10, s18, s21, $0xb8;
	[tilespmem:$0x19020] =	vst v63  }
0x3e: {  	_ =	swait.ge [sflag:s23], $0x800  }
0x3f: {  	[sflag:s23] =	ssyncset.done $0x0  }
0x40: {  	[sflag:s23] =	ssyncadd.s32 $0xFFFFF800  }
0x41: {  	_ =	swait.ge [sflag:s24], $0x80  }
.Ltmp0:
0x42: {  	[sflag:s24] =	ssyncset.done $0x0;
	(pc) =	sbr.rel @p1 .LBB2_2-.Ltmp0, $4  }
0x43: {  	[sflag:s24] =	ssyncadd.s32 $0xFFFFFF80  }
0x44: {  	[spmem:s1] =	stream.indirect.scatter.add.f32 [tilespmem:s22], [sflag:$0x4], $0x10, s19, s21, $0xb8;
	[tilespmem:$0x19020] =	vst v63  }
0x45: {  	_ =	swait.ge [sflag:s16], $0x800  }
0x46: {  	s3 =	smov.u32 s8;
	[sflag:s16] =	ssyncset.done $0x0  }
0x47: {  	s3 =	sadd.s32 s0, s15;
	[sflag:s16] =	ssyncadd.s32 $0xFFFFF800  }
0x48: {  	[tilespmem:s18], [sflag:$0x1] =	stream.linear.gather [hbm4b:s3+s2], $0x80, $0x38;
	[tilespmem:$0x19020] =	vst v63  }
0x49: {  	s8 =	sadd.s32 s0, s14  }
0x4a: {  	[tilespmem:s19], [sflag:$0x2] =	stream.linear.gather [hbm4b:s8+s2], $0x80, $0x38;
	[tilespmem:$0x19020] =	vst v63  }
0x4b: {  	_ =	swait.ge [sflag:s20], $0x80  }
0x4c: {  	[sflag:s20] =	ssyncset.done $0x0  }
0x4d: {  	[sflag:s20] =	ssyncadd.s32 $0xFFFFFF80  }
0x4e: {  	[tilespmem:s22], [sflag:$0x3] =	stream.indirect.gather [hbm4b:s4+s21], $0x10, s18, s21, $0xb8;
	[tilespmem:$0x19020] =	vst v63  }
0x4f: {  	_ =	swait.ge [sflag:s23], $0x800  }
0x50: {  	[sflag:s23] =	ssyncset.done $0x0  }
0x51: {  	[sflag:s23] =	ssyncadd.s32 $0xFFFFF800  }
0x52: {  	_ =	swait.ge [sflag:s24], $0x80  }
0x53: {  	[sflag:s24] =	ssyncset.done $0x0  }
0x54: {  	[sflag:s24] =	ssyncadd.s32 $0xFFFFFF80  }
0x55: {  	[spmem:s1] =	stream.indirect.scatter.add.f32 [tilespmem:s22], [sflag:$0x4], $0x10, s19, s21, $0xb8;
	[tilespmem:$0x19020] =	vst v63  }
0x56: {  	_ =	swait.ge [sflag:s16], $0x800  }
0x57: {  	[sflag:s16] =	ssyncset.done $0x0  }
0x58: {  	[sflag:s16] =	ssyncadd.s32 $0xFFFFF800  }
0x59: {  	[tilespmem:s26], [sflag:$0x4] =	stream.linear.gather [hbm4b:s9+s2], $0x40, $0x38;
	[tilespmem:$0x19020] =	vst v63  }
0x5a: {  	_ =	swait.ge [sflag:s16], $0x40  }
0x5b: {  	[sflag:s16] =	ssyncset.done $0x0  }
0x5c: {  	[sflag:s16] =	ssyncadd.s32 $0xFFFFFFC0  }
0x5d: {  	[tilespmem:s28], [sflag:$0x4] =	stream.linear.gather [hbm4b:s10+s2], $0x40, $0x38;
	[tilespmem:$0x19020] =	vst v63  }
0x5e: {  	_ =	swait.ge [sflag:s16], $0x40  }
0x5f: {  	[sflag:s16] =	ssyncset.done $0x0  }
0x60: {  	[sflag:s16] =	ssyncadd.s32 $0xFFFFFFC0  }
0x61: {  	[tilespmem:s22], [sflag:$0x3] =	stream.indirect.gather [hbm4b:s4+s29], $0x10, s26, s29, $0xb8;
	[tilespmem:$0x19020] =	vst v63  }
0x62: {  	_ =	swait.ge [sflag:s23], $0x400  }
0x63: {  	[sflag:s23] =	ssyncset.done $0x0  }
0x64: {  	[sflag:s23] =	ssyncadd.s32 $0xFFFFFC00  }
0x65: {  	[spmem:s1] =	stream.indirect.scatter.add.f32 [tilespmem:s22], [sflag:$0x4], $0x10, s28, s29, $0xb8;
	[tilespmem:$0x19020] =	vst v63  }
0x66: {  	_ =	swait.ge [sflag:s16], $0x400  }
0x67: {  	[sflag:s16] =	ssyncset.done $0x0  }
0x68: {  	[sflag:s16] =	ssyncadd.s32 $0xFFFFFC00  }
0x69: {  	[bflag:$0x0] =	sbarrier.arrive $0xFFFF  }
0x6a: {  	[hbm:s11], [sflag:s7] =	dma.local [spmem:s31], $0x2710  }
0x6b: {  	s30 =	sadd.s32 $0x1, s30;
	_ =	swait.ge [sflag:s16], $0x2710  }
0x6c: {  	p1 =	sne.s32 s30, s13;
	[sflag:s16] =	ssyncset.done $0x0  }
.Ltmp1:
0x6d: {  	s0 =	simm.s32 @!p0 $0x4;
	[sflag:s16] =	ssyncadd.s32 $0xFFFFD8F0;
	(pc) =	sbr.rel @p1 .LBB2_1-.Ltmp1, $4  }
0x6e: {  	[hbm:s12], [sflag:s7] =	dma.local @!p0 [spmem:s25], $0x2710  }
0x6f: {  	_ =	swait.ge @!p0 [sflag:s0], $0x2710  }
0x70: {  	[sflag:s0] =	ssyncset.done @!p0 $0x0  }
0x71: {  	[sflag:s0] =	ssyncadd.s32 @!p0 $0xFFFFD8F0  }
0x72: {  	_ =	sfence.sel $0x180000  }
0x73: {  	[bflag:$0x0] =	sbarrier.arrive $0xFFFF  }
0x74: {  	_ =	strace $0x9000004A  }
0x75: {  	s0 =	stileid.u32;
	[bflag:$0x2] =	sbarrier.arrive $0xFFFF  }
0x76: {  	p0 =	sne.s32 s0, $0x0;
	s0 =	rddreg [dreg:$0x2]  }
0x77: {  	s0 =	sadd.s32 @!p0 $0x100000, s0  }
0x78: {  	[sflag:s0] =	ssyncadd.tile.s32 @!p0 $0x1;
	_ =	shalt  }
.Lfunc_end2:
_tile_overlayer_lowered:
.L_overlay_start_2:
0x79: {  	(tag) =	ssettag $0x2  }
0x7a: {  	s0 =	rddreg [dreg:$0x0];
	s2 =	stileid.u32  }
0x7b: {  	s1 =	rddreg [dreg:$0x1];
	p0 =	sne.s32 s2, $0x0  }
0x7c: {  	s3 =	rddreg [dreg:$0x2];
	[bflag:$0x3] =	sbarrier.arrive $0xFFFF;
	s2 =	simm.s32 @!p0 $0x1C04  }
0x7d: {  	[timem:s3], [sflag:s2] =	dma.local @!p0 [hbm:s0], s1  }
0x7e: {  	s0 =	simm.s32 @!p0 $0x4  }
0x7f: {  	_ =	swait.ge @!p0 [sflag:s0], s1  }
0x80: {  	s1 =	ssub.s32 @!p0 $0x0, s1;
	[sflag:s0] =	ssyncset.done @!p0 $0x0  }
0x81: {  	[sflag:s0] =	ssyncadd.s32 @!p0 s1  }
0x82: {  	[bflag:$0x3] =	sbarrier.arrive $0xFFFF  }
0x83: {  	_ =	shalt  }

// kernel: kernel.14.cloned.1.call-start
scs
__scs_entry_jumppad:
0x0: {  	(pc) =	sbr.rel $0x88, $3  }
0x1: {  	(tag) =	ssettag $0x0;
	lr =	simm.s32 $0x1  }
0x2: {  	[smem:$0x3F9A] =	sst lr;
	_ =	strace $0xD0000000  }
0x3: {  	_ = 	snop  }
0x4: {  	_ = 	snop  }
0x5: {  	_ = 	snop  }
0x6: {  	_ = 	snop  }
0x7: {  	_ = 	snop  }
__scs_overlays_trampoline_lowered:
0x8: {  	[smem:$0x3FA9] =	sst s0  }
0x9: {  	[smem:$0x3FAA] =	sst s1  }
0xa: {  	[smem:$0x3FAB] =	sst s2  }
0xb: {  	[smem:$0x3FAC] =	sst s3  }
0xc: {  	[smem:$0x3FAD] =	sst s4  }
0xd: {  	[smem:$0x3FAE] =	sst s5  }
0xe: {  	[smem:$0x3FAF] =	sst s6  }
0xf: {  	[smem:$0x3FB0] =	sst s7  }
0x10: {  	[smem:$0x3FB1] =	sst s8  }
0x11: {  	[smem:$0x3FB2] =	sst s9;
	s0 =	simm.s32 @!p0 $0x0  }
0x12: {  	s1 =	sld [smem:$0x3F98];
	s0 =	simm.s32 @p0 $0x1  }
0x13: {  	[smem:$0x3FB3] =	sst s0;
	s0 =	simm.s32 @!p1 $0x0  }
0x14: {  	s2 =	sld [smem:$0x3F97];
	s0 =	simm.s32 @p1 $0x1  }
0x15: {  	[smem:$0x3FB4] =	sst s0;
	s0 =	simm.s32 @!p2 $0x0  }
0x16: {  	s3 =	sld [smem:$0x3FDB];
	s0 =	simm.s32 @p2 $0x1  }
0x17: {  	s4 =	simm.s32 $0x1BF5;
	[smem:$0x3FB6] =	sst s0  }
0x18: {  	s0 =	sld [smem:$0x3F99];
	_ =	swait.ge [sflag:s4], $0x0  }
0x19: {  	s7 =	sld [smem:$0x3F9A]  }
0x1a: {  	s8 =	sadd.s32 $0xFFFFE003, lr  }
0x1b: {  	s9 =	sadd.s32 $0xFFFFFEF7, lr;
	s5 =	simm.s32 $0xFFFFFFFF;
	p2 =	slt.u32 s8, $0xFFFFF086  }
0x1c: {  	p1 =	slt.u32 s9, $0xF7A;
	s5 =	simm.s32 @!p2 $0x0  }
0x1d: {  	s5 =	simm.s32 @p1 $0x1;
	p0 =	seq.s32 s7, s2  }
0x1e: {  	s7 =	smul.u32 @!p0 $0xF7A, s2;
	p2 =	seq.s32 @!p0 s5, $0x0  }
0x1f: {  	s9 =	smul.u32 $0xF7A, s1;
	s8 =	simm.s32 @!p0 $0x1BF5;
	p2 =	por !p2, p0  }
0x20: {  	[sflag:s8] =	ssyncset.s32 @!p0 $0xFFFFF086;
	s6 =	sadd.s32 @!p0 s3, s7;
	s7 =	simm.s32 @!p0 $0x108  }
0x21: {  	s3 =	sadd.s32 s3, s9;
	s6 =	sadd.s32 @!p0 $0x88, s6;
	s7 =	simm.s32 @p2 $0x1082  }
0x22: {  	[simem:s7], [sflag:s8] =	dma.local @!p0 [hbm:s6], $0xF7A  }
0x23: {  	s9 =	sor.u32 $0xD0000000, s2;
	s6 =	simm.s32 $0x108;
	_ =	swait.ge @!p0 [sflag:s8], $0x0  }
0x24: {  	s3 =	sadd.s32 $0x88, s3;
	s6 =	simm.s32 @!p1 $0x1082;
	[sflag:s4] =	ssyncset.s32 $0xFFFFF086  }
0x25: {  	[simem:s6], [sflag:s4] =	dma.local [hbm:s3], $0xF7A  }
0x26: {  	[smem:$0x3F9A] =	sst s1;
	(tag) =	ssettag s2;
	_ =	strace s9  }
0x27: {  	s1 =	sld [smem:$0x3FAA]  }
0x28: {  	s2 =	sld [smem:$0x3FAB]  }
0x29: {  	s4 =	sld [smem:$0x3FAD]  }
0x2a: {  	p0 =	seq.s32 s5, $0x0;
	s5 =	sld [smem:$0x3FAE]  }
0x2b: {  	s6 =	sld [smem:$0x3FAF]  }
0x2c: {  	s7 =	sld [smem:$0x3FB0]  }
0x2d: {  	s3 =	simm.s32 $0x108;
	s8 =	sld [smem:$0x3FB1]  }
0x2e: {  	s3 =	simm.s32 @!p0 $0x1082;
	s9 =	sld [smem:$0x3FB2]  }
0x2f: {  	lr =	sadd.s32 s0, s3;
	s0 =	sld [smem:$0x3FA9]  }
0x30: {  	s3 =	sld [smem:$0x3FAC]  }
0x31: {  	[smem:$0x3FB5] =	sst s10  }
0x32: {  	s10 =	sld [smem:$0x3FB3];
	_ =	sdelay $0x3  }
0x33: {  	p0 =	seq.s32 s10, $0x1;
	s10 =	sld [smem:$0x3FB5];
	_ =	sdelay $0x3  }
0x34: {  	[smem:$0x3FB5] =	sst s10  }
0x35: {  	s10 =	sld [smem:$0x3FB4];
	_ =	sdelay $0x3  }
0x36: {  	p1 =	seq.s32 s10, $0x1;
	s10 =	sld [smem:$0x3FB5];
	_ =	sdelay $0x3  }
0x37: {  	[smem:$0x3FB5] =	sst s10  }
0x38: {  	s10 =	sld [smem:$0x3FB6]  }
0x39: {  	_ = 	snop;
	(pc) =	sbr.ind lr, $3  }
0x3a: {  	_ = 	snop  }
0x3b: {  	_ = 	snop  }
0x3c: {  	p2 =	seq.s32 s10, $0x1;
	s10 =	sld [smem:$0x3FB5]  }
0x3d: {  	_ =	shalt  }
0x3e: {  	_ =	shalt  }
0x3f: {  	_ =	shalt  }
0x40: {  	_ =	shalt  }
0x41: {  	_ =	shalt  }
0x42: {  	_ =	shalt  }
0x43: {  	_ =	shalt  }
0x44: {  	_ =	shalt  }
0x45: {  	_ =	shalt  }
0x46: {  	_ =	shalt  }
0x47: {  	_ =	shalt  }
0x48: {  	_ =	shalt  }
0x49: {  	_ =	shalt  }
0x4a: {  	_ =	shalt  }
0x4b: {  	_ =	shalt  }
0x4c: {  	_ =	shalt  }
0x4d: {  	_ =	shalt  }
0x4e: {  	_ =	shalt  }
0x4f: {  	_ =	shalt  }
0x50: {  	_ =	shalt  }
0x51: {  	_ =	shalt  }
0x52: {  	_ =	shalt  }
0x53: {  	_ =	shalt  }
0x54: {  	_ =	shalt  }
0x55: {  	_ =	shalt  }
0x56: {  	_ =	shalt  }
0x57: {  	_ =	shalt  }
0x58: {  	_ =	shalt  }
0x59: {  	_ =	shalt  }
0x5a: {  	_ =	shalt  }
0x5b: {  	_ =	shalt  }
0x5c: {  	_ =	shalt  }
0x5d: {  	_ =	shalt  }
0x5e: {  	_ =	shalt  }
0x5f: {  	_ =	shalt  }
0x60: {  	_ =	shalt  }
0x61: {  	_ =	shalt  }
0x62: {  	_ =	shalt  }
0x63: {  	_ =	shalt  }
0x64: {  	_ =	shalt  }
0x65: {  	_ =	shalt  }
0x66: {  	_ =	shalt  }
0x67: {  	_ =	shalt  }
0x68: {  	_ =	shalt  }
0x69: {  	_ =	shalt  }
0x6a: {  	_ =	shalt  }
0x6b: {  	_ =	shalt  }
0x6c: {  	_ =	shalt  }
0x6d: {  	_ =	shalt  }
0x6e: {  	_ =	shalt  }
0x6f: {  	_ =	shalt  }
0x70: {  	_ =	shalt  }
0x71: {  	_ =	shalt  }
0x72: {  	_ =	shalt  }
0x73: {  	_ =	shalt  }
0x74: {  	_ =	shalt  }
0x75: {  	_ =	shalt  }
0x76: {  	_ =	shalt  }
0x77: {  	_ =	shalt  }
0x78: {  	_ =	shalt  }
0x79: {  	_ =	shalt  }
0x7a: {  	_ =	shalt  }
0x7b: {  	_ =	shalt  }
0x7c: {  	_ =	shalt  }
0x7d: {  	_ =	shalt  }
0x7e: {  	_ =	shalt  }
0x7f: {  	_ =	shalt  }
0x80: {  	_ =	shalt  }
0x81: {  	_ =	shalt  }
0x82: {  	_ =	shalt  }
0x83: {  	_ =	shalt  }
0x84: {  	_ =	shalt  }
0x85: {  	_ =	shalt  }
0x86: {  	_ =	shalt  }
0x87: {  	_ =	shalt  }
.Lfunc_end0:
.L_simem_size_0:
called_computation.2_lowered:
.L_overlay_start_0:
0x88: {  	s2 =	sld [smem:$0x3FD9]  }
0x89: {  	s3 =	sld [smem:$0x3FFE];
	_ =	sdelay $0x1  }
0x8a: {  	s1 =	srdreg.scid  }
0x8b: {  	s0 =	sand.u32 $0x1, s1  }
0x8c: {  	s16 =	sshll.u32 s0, $0xA;
	s2 =	sadd.s32 s3, s2  }
0x8d: {  	s2 =	sadd.s32 s2, s16  }
0x8e: {  	[smem:$0x3FC1] =	sst s2  }
0x8f: {  	_ = 	snop  }
0x90: {  	(tm) =	ssettm $0x1  }
0x91: {  	s17 =	sld [smem:$0x3FFB];
	_ =	sdelay $0x3  }
0x92: {  	_ =	strace s17  }
0x93: {  	s2 =	sld [smem:$0x3FFC];
	_ =	sdelay $0x3  }
0x94: {  	_ =	strace s2  }
0x95: {  	s2 =	sld [smem:$0x3FFD];
	_ =	sdelay $0x3  }
0x96: {  	_ =	strace s2  }
0x97: {  	_ =	strace $0x8FFFFFFF  }
0x98: {  	s18 =	sld [smem:$0x3FDB];
	_ =	sdelay $0x1  }
0x99: {  	s19 =	simm.s32 $_scs_section_size  }
0x9a: {  	s4 =	simm.s32 $_size__tile_overlayer_lowered;
	s5 =	simm.s32 $_tile_overlayer_lowered  }
0x9b: {  	s22 =	simm.s32 $0x1BFF;
	s21 =	sshll.u32 s5, $0x1;
	s2 =	sadd.s32 s19, s18  }
0x9c: {  	s6 =	simm.s32 $0x0;
	s20 =	sshll.u32 s4, $0x1;
	s4 =	sadd.s32 s21, s2  }
0x9d: {  	[timem:s6], [sflag:s22] =	dma.local [hbm:s4], s20  }
0x9e: {  	_ =	swait.ge [sflag:s22], s20  }
0x9f: {  	s3 =	ssub.s32 $0x0, s20;
	[sflag:s22] =	ssyncset.done $0x0  }
0xa0: {  	[sflag:s22] =	ssyncadd.s32 s3;
	_ =	sdelay $0x1  }
0xa1: {  	s23 =	simm.s32 $0x1B8B  }
0xa2: {  	_ =	swait.ge [sflag:s23], $0x1  }
0xa3: {  	[sflag:s23] =	ssyncset.done $0x0  }
0xa4: {  	s25 =	simm.s32 $0x1B8E;
	s24 =	sld [smem:$0x3FFE];
	[sflag:s23] =	ssyncadd.s32 $0xFFFFFFFF  }
0xa5: {  	s26 =	simm.s32 $execute0_lowered;
	[smem:$0x3FD2] =	sst s25  }
0xa6: {  	s4 =	sshll.u32 s26, $0x1;
	_ =	strace $0x8000004C;
	[dreg:$0x1] =	wrdreg $0xFFFFFFFF  }
0xa7: {  	s28 =	simm.s32 $_size_execute0_lowered;
	s2 =	sadd.s32 s2, s4;
	[dreg:$0x0] =	wrdreg $0x0  }
0xa8: {  	s4 =	sshll.u32 s28, $0x1;
	[dreg:$0x2] =	wrdreg s2  }
0xa9: {  	[dreg:$0x3] =	wrdreg s4  }
0xaa: {  	[dreg:$0x4] =	wrdreg $0xC0  }
0xab: {  	_ =	task [dreg:s6], $0x5FFFF  }
0xac: {  	[dreg:$0x1] =	wrdreg $0xFFFFFFFF  }
0xad: {  	[dreg:$0x0] =	wrdreg $0x60  }
0xae: {  	[dreg:$0x2] =	wrdreg s24  }
0xaf: {  	[dreg:$0x3] =	wrdreg $0x0  }
0xb0: {  	[dreg:$0x4] =	wrdreg $0x9  }
0xb1: {  	_ =	task.clear_ibuf [dreg:s6], $0x5FFFF;
	_ =	strace $0x9000004C  }
0xb2: {  	s29 =	simm.s32 $0x9;
	_ =	strace $0x8000004E  }
0xb3: {  	_ =	swait.ge [sflag:s29], $0x1  }
0xb4: {  	[sflag:s29] =	ssyncadd.s32 $0xFFFFFFFF  }
0xb5: {  	_ =	strace $0x9000004E  }
0xb6: {  	_ =	sfence  }
0xb7: {  	s30 =	sld [smem:$0x0];
	_ =	sdelay $0x2  }
0xb8: {  	s31 =	sshll.u32 s1, $0xD;
	s1 =	sshrl.u32 s1, $0x2  }
0xb9: {  	s3 =	sand.u32 $0x4000, s31;
	s1 =	sadd.s32 s1, s30  }
0xba: {  	s0 =	sor.u32 s3, s0;
	s1 =	sshll.u32 s1, $0x11  }
0xbb: {  	s0 =	sor.u32 s1, s0  }
0xbc: {  	s0 =	sadd.s32 $0x8F2B, s0  }
0xbd: {  	[sflag:s0] =	ssyncadd.remote.s32 $0x1  }
0xbe: {  	_ =	sfence.sel $0xFFFF  }
0xbf: {  	[dreg:$0x0] =	wrdreg $0xFFFFFFFF;
	(pc) =	sbr.abs _section_cstart, $3  }
0xc0: {  	[dreg:$0x1] =	wrdreg $0xFFFFFFFF  }
0xc1: {  	_ =	task.clear_ibuf [dreg:s6], $0x2FFFF;
	_ =	strace $0x9FFFFFFF  }
0xc2: {  	(tm) =	ssettm $0x7FFFFFFF  }
0xc3: {  	_ =	shalt  }
tec
execute0_lowered:
.L_overlay_start_1:
0x0: {  	(tag) =	ssettag $0x1  }
0x1: {  	s0 =	rddreg [dreg:$0x0]  }
0x2: {  	s1 =	rddreg [dreg:$0x1];
	s2 =	simm.s32 $0x0  }
0x3: {  	s3 =	srdreg.scid;
	s20 =	stileid.u32;
	s28 =	simm.s32 $0x187E0  }
0x4: {  	s29 =	simm.s32 $0x40;
	s30 =	simm.s32 $0x0;
	[smem:$0x7FF] =	sst s2  }
0x5: {  	s4 =	sadd.s32 $0x1B9600, s0;
	s15 =	sadd.s32 $0x1C00, s0;
	s3 =	sand.u32 $0x1, s3  }
0x6: {  	s14 =	sadd.s32 $0xC5200, s0;
	s8 =	sadd.s32 $0x188800, s0;
	s9 =	smul.u32 $0x13880, s20  }
0x7: {  	s0 =	sadd.s32 $0x1EA400, s0;
	s10 =	smul.u32 $0x1388, s20;
	s11 =	sshll.u32 s20, $0x6  }
0x8: {  	p0 =	sgt.u32 s20, $0x3;
	_ =	strace $0x8000004D;
	s16 =	smul.u32 $0x186A0, s3  }
0x9: {  	s5 =	ssub.s32 $0x2, s3;
	s17 =	sshll.u32 s3, $0x4;
	s3 =	smul.u32 $0x30D400, s3  }
0xa: {  	s6 =	sshrl.u32 s5, $0x1;
	s18 =	sor.u32 s20, s17;
	s19 =	sadd.s32 s9, s1  }
0xb: {  	s7 =	sshrl.u32 s9, $0x3;
	s9 =	sadd.s32 $0x138800, s9;
	s13 =	ssub.s32 s5, s6  }
0xc: {  	[dreg:$0x3] =	wrdreg s19;
	s12 =	smul.u32 $0x30D40, s18;
	s21 =	sadd.s32 s8, s7  }
0xd: {  	s7 =	sor.u32 $0x1C04, s11;
	s22 =	sshrl.u32 s9, $0x3;
	s17 =	sadd.s32 s9, s1  }
0xe: {  	s25 =	sadd.s32 s10, s16;
	s18 =	sadd.s32 $0x13880, s10;
	s19 =	smul.u32 $0x30D40, s20  }
0xf: {  	s20 =	simm.s32 $0x1;
	[dreg:$0x4] =	wrdreg s21;
	s23 =	sadd.s32 s8, s22  }
0x10: {  	s26 =	sadd.s32 s16, s18;
	s31 =	sshll.u32 s18, $0x4;
	s13 =	smax.u32 s13, $0x1  }
0x11: {  	s16 =	simm.s32 $0x4;
	s17 =	sshrl.u32 @!p0 s17, $0x3;
	s18 =	simm.s32 $0x186A0  }
0x12: {  	s21 =	simm.s32 $0x80;
	s22 =	simm.s32 $0x18820;
	s12 =	sshrl.u32 s12, $0x3  }
0x13: {  	[dreg:$0x5] =	wrdreg s23;
	s3 =	sadd.s32 s19, s3;
	s19 =	simm.s32 $0x18720  }
0x14: {  	s23 =	simm.s32 $0x3;
	s24 =	sadd.s32 $0x61A0, s12;
	s12 =	sshll.u32 s25, $0x1  }
0x15: {  	s3 =	sshrl.u32 s3, $0x3;
	s9 =	sadd.s32 s15, s24;
	s10 =	sadd.s32 s14, s24  }
0x16: {  	s11 =	sadd.s32 s0, s12;
	s12 =	sshll.u32 s26, $0x1;
	s14 =	sadd.s32 s3, s14  }
0x17: {  	s15 =	sadd.s32 s3, s15;
	s12 =	sadd.s32 s0, s12;
	s0 =	sadd.s32 s31, s1  }
0x18: {  	s24 =	simm.s32 $0x2;
	s26 =	simm.s32 $0x187A0;
	s25 =	sshrl.u32 @!p0 s0, $0x3  }
.LBB2_1:
0x19: {  	s0 =	rddreg [dreg:$0x3]  }
0x1a: {  	s5 =	rddreg [dreg:$0x4];
	s31 =	sshrl.u32 s0, $0x3  }
0x1b: {  	[spmem:s31], [sflag:s7] =	dma.local [hbm:s5], $0x2710  }
0x1c: {  	_ =	swait.ge [sflag:s16], $0x2710  }
0x1d: {  	[sflag:s16] =	ssyncset.done $0x0  }
0x1e: {  	s0 =	rddreg [dreg:$0x5];
	[sflag:s16] =	ssyncadd.s32 $0xFFFFD8F0  }
0x1f: {  	[spmem:s17], [sflag:s7] =	dma.local @!p0 [hbm:s0], $0x2710  }
0x20: {  	s0 =	simm.s32 @!p0 $0x4  }
0x21: {  	_ =	swait.ge @!p0 [sflag:s0], $0x2710  }
0x22: {  	[sflag:s0] =	ssyncset.done @!p0 $0x0  }
0x23: {  	[sflag:s0] =	ssyncadd.s32 @!p0 $0xFFFFD8F0  }
0x24: {  	s6 =	sadd.s32 $0x0, s15;
	[bflag:$0x0] =	sbarrier.arrive $0xFFFF  }
0x25: {  	[tilespmem:s18], [sflag:$0x1] =	stream.linear.gather [hbm4b:s6+s2], $0x80, $0x38;
	[tilespmem:$0x19020] =	vst v63  }
0x26: {  	s8 =	sadd.s32 $0x0, s14  }
0x27: {  	[tilespmem:s19], [sflag:$0x2] =	stream.linear.gather [hbm4b:s8+s2], $0x80, $0x38;
	[tilespmem:$0x19020] =	vst v63  }
0x28: {  	_ =	swait.ge [sflag:s20], $0x80  }
0x29: {  	[sflag:s20] =	ssyncset.done $0x0  }
0x2a: {  	[sflag:s20] =	ssyncadd.s32 $0xFFFFFF80  }
0x2b: {  	[tilespmem:s22], [sflag:$0x3] =	stream.indirect.gather [hbm4b:s4+s21], $0x10, s18, s21, $0xb8;
	[tilespmem:$0x19020] =	vst v63  }
0x2c: {  	_ =	swait.ge [sflag:s23], $0x800  }
0x2d: {  	[sflag:s23] =	ssyncset.done $0x0  }
0x2e: {  	[sflag:s23] =	ssyncadd.s32 $0xFFFFF800  }
0x2f: {  	_ =	swait.ge [sflag:s24], $0x80  }
0x30: {  	[sflag:s24] =	ssyncset.done $0x0  }
0x31: {  	[sflag:s24] =	ssyncadd.s32 $0xFFFFFF80  }
0x32: {  	[spmem:s1] =	stream.indirect.scatter.add.f32 [tilespmem:s22], [sflag:$0x4], $0x10, s19, s21, $0xb8;
	[tilespmem:$0x19020] =	vst v63  }
0x33: {  	_ =	swait.ge [sflag:s16], $0x800  }
0x34: {  	s3 =	simm.s32 $0x20;
	s0 =	simm.s32 $0x10;
	[sflag:s16] =	ssyncset.done $0x0  }
.LBB2_2:
0x35: {  	s5 =	sadd.s32 s0, s15  }
0x36: {  	[sflag:s16] =	ssyncadd.s32 $0xFFFFF800;
	s6 =	smov.u32 s3;
	s8 =	sadd.s32 $0x10, s3  }
0x37: {  	[tilespmem:s18], [sflag:$0x1] =	stream.linear.gather [hbm4b:s5+s2], $0x80, $0x38;
	[tilespmem:$0x19020] =	vst v63  }
0x38: {  	p1 =	sne.s32 s3, $0x6190;
	s3 =	sadd.s32 s0, s14;
	s0 =	smov.u32 s6  }
0x39: {  	[tilespmem:s19], [sflag:$0x2] =	stream.linear.gather [hbm4b:s3+s2], $0x80, $0x38;
	[tilespmem:$0x19020] =	vst v63  }
0x3a: {  	_ =	swait.ge [sflag:s20], $0x80  }
0x3b: {  	[sflag:s20] =	ssyncset.done $0x0  }
0x3c: {  	[sflag:s20] =	ssyncadd.s32 $0xFFFFFF80  }
0x3d: {  	[tilespmem:s22], [sflag:$0x3] =	stream.indirect.gather [hbm4b:s4+s21], $0x10, s18, s21, $0xb8;
	[tilespmem:$0x19020] =	vst v63  }
0x3e: {  	_ =	swait.ge [sflag:s23], $0x800  }
0x3f: {  	[sflag:s23] =	ssyncset.done $0x0  }
0x40: {  	[sflag:s23] =	ssyncadd.s32 $0xFFFFF800  }
0x41: {  	_ =	swait.ge [sflag:s24], $0x80  }
.Ltmp0:
0x42: {  	[sflag:s24] =	ssyncset.done $0x0;
	(pc) =	sbr.rel @p1 .LBB2_2-.Ltmp0, $4  }
0x43: {  	[sflag:s24] =	ssyncadd.s32 $0xFFFFFF80  }
0x44: {  	[spmem:s1] =	stream.indirect.scatter.add.f32 [tilespmem:s22], [sflag:$0x4], $0x10, s19, s21, $0xb8;
	[tilespmem:$0x19020] =	vst v63  }
0x45: {  	_ =	swait.ge [sflag:s16], $0x800  }
0x46: {  	s3 =	smov.u32 s8;
	[sflag:s16] =	ssyncset.done $0x0  }
0x47: {  	s3 =	sadd.s32 s0, s15;
	[sflag:s16] =	ssyncadd.s32 $0xFFFFF800  }
0x48: {  	[tilespmem:s18], [sflag:$0x1] =	stream.linear.gather [hbm4b:s3+s2], $0x80, $0x38;
	[tilespmem:$0x19020] =	vst v63  }
0x49: {  	s8 =	sadd.s32 s0, s14  }
0x4a: {  	[tilespmem:s19], [sflag:$0x2] =	stream.linear.gather [hbm4b:s8+s2], $0x80, $0x38;
	[tilespmem:$0x19020] =	vst v63  }
0x4b: {  	_ =	swait.ge [sflag:s20], $0x80  }
0x4c: {  	[sflag:s20] =	ssyncset.done $0x0  }
0x4d: {  	[sflag:s20] =	ssyncadd.s32 $0xFFFFFF80  }
0x4e: {  	[tilespmem:s22], [sflag:$0x3] =	stream.indirect.gather [hbm4b:s4+s21], $0x10, s18, s21, $0xb8;
	[tilespmem:$0x19020] =	vst v63  }
0x4f: {  	_ =	swait.ge [sflag:s23], $0x800  }
0x50: {  	[sflag:s23] =	ssyncset.done $0x0  }
0x51: {  	[sflag:s23] =	ssyncadd.s32 $0xFFFFF800  }
0x52: {  	_ =	swait.ge [sflag:s24], $0x80  }
0x53: {  	[sflag:s24] =	ssyncset.done $0x0  }
0x54: {  	[sflag:s24] =	ssyncadd.s32 $0xFFFFFF80  }
0x55: {  	[spmem:s1] =	stream.indirect.scatter.add.f32 [tilespmem:s22], [sflag:$0x4], $0x10, s19, s21, $0xb8;
	[tilespmem:$0x19020] =	vst v63  }
0x56: {  	_ =	swait.ge [sflag:s16], $0x800  }
0x57: {  	[sflag:s16] =	ssyncset.done $0x0  }
0x58: {  	[sflag:s16] =	ssyncadd.s32 $0xFFFFF800  }
0x59: {  	[tilespmem:s26], [sflag:$0x4] =	stream.linear.gather [hbm4b:s9+s2], $0x40, $0x38;
	[tilespmem:$0x19020] =	vst v63  }
0x5a: {  	_ =	swait.ge [sflag:s16], $0x40  }
0x5b: {  	[sflag:s16] =	ssyncset.done $0x0  }
0x5c: {  	[sflag:s16] =	ssyncadd.s32 $0xFFFFFFC0  }
0x5d: {  	[tilespmem:s28], [sflag:$0x4] =	stream.linear.gather [hbm4b:s10+s2], $0x40, $0x38;
	[tilespmem:$0x19020] =	vst v63  }
0x5e: {  	_ =	swait.ge [sflag:s16], $0x40  }
0x5f: {  	[sflag:s16] =	ssyncset.done $0x0  }
0x60: {  	[sflag:s16] =	ssyncadd.s32 $0xFFFFFFC0  }
0x61: {  	[tilespmem:s22], [sflag:$0x3] =	stream.indirect.gather [hbm4b:s4+s29], $0x10, s26, s29, $0xb8;
	[tilespmem:$0x19020] =	vst v63  }
0x62: {  	_ =	swait.ge [sflag:s23], $0x400  }
0x63: {  	[sflag:s23] =	ssyncset.done $0x0  }
0x64: {  	[sflag:s23] =	ssyncadd.s32 $0xFFFFFC00  }
0x65: {  	[spmem:s1] =	stream.indirect.scatter.add.f32 [tilespmem:s22], [sflag:$0x4], $0x10, s28, s29, $0xb8;
	[tilespmem:$0x19020] =	vst v63  }
0x66: {  	_ =	swait.ge [sflag:s16], $0x400  }
0x67: {  	[sflag:s16] =	ssyncset.done $0x0  }
0x68: {  	[sflag:s16] =	ssyncadd.s32 $0xFFFFFC00  }
0x69: {  	[bflag:$0x0] =	sbarrier.arrive $0xFFFF  }
0x6a: {  	[hbm:s11], [sflag:s7] =	dma.local [spmem:s31], $0x2710  }
0x6b: {  	s30 =	sadd.s32 $0x1, s30;
	_ =	swait.ge [sflag:s16], $0x2710  }
0x6c: {  	p1 =	sne.s32 s30, s13;
	[sflag:s16] =	ssyncset.done $0x0  }
.Ltmp1:
0x6d: {  	s0 =	simm.s32 @!p0 $0x4;
	[sflag:s16] =	ssyncadd.s32 $0xFFFFD8F0;
	(pc) =	sbr.rel @p1 .LBB2_1-.Ltmp1, $4  }
0x6e: {  	[hbm:s12], [sflag:s7] =	dma.local @!p0 [spmem:s25], $0x2710  }
0x6f: {  	_ =	swait.ge @!p0 [sflag:s0], $0x2710  }
0x70: {  	[sflag:s0] =	ssyncset.done @!p0 $0x0  }
0x71: {  	[sflag:s0] =	ssyncadd.s32 @!p0 $0xFFFFD8F0  }
0x72: {  	_ =	sfence.sel $0x180000  }
0x73: {  	[bflag:$0x0] =	sbarrier.arrive $0xFFFF  }
0x74: {  	_ =	strace $0x9000004D  }
0x75: {  	s0 =	stileid.u32;
	[bflag:$0x2] =	sbarrier.arrive $0xFFFF  }
0x76: {  	p0 =	sne.s32 s0, $0x0;
	s0 =	rddreg [dreg:$0x2]  }
0x77: {  	s0 =	sadd.s32 @!p0 $0x100000, s0  }
0x78: {  	[sflag:s0] =	ssyncadd.tile.s32 @!p0 $0x1;
	_ =	shalt  }
.Lfunc_end2:
_tile_overlayer_lowered:
.L_overlay_start_2:
0x79: {  	(tag) =	ssettag $0x2  }
0x7a: {  	s0 =	rddreg [dreg:$0x0];
	s2 =	stileid.u32  }
0x7b: {  	s1 =	rddreg [dreg:$0x1];
	p0 =	sne.s32 s2, $0x0  }
0x7c: {  	s3 =	rddreg [dreg:$0x2];
	[bflag:$0x3] =	sbarrier.arrive $0xFFFF;
	s2 =	simm.s32 @!p0 $0x1C04  }
0x7d: {  	[timem:s3], [sflag:s2] =	dma.local @!p0 [hbm:s0], s1  }
0x7e: {  	s0 =	simm.s32 @!p0 $0x4  }
0x7f: {  	_ =	swait.ge @!p0 [sflag:s0], s1  }
0x80: {  	s1 =	ssub.s32 @!p0 $0x0, s1;
	[sflag:s0] =	ssyncset.done @!p0 $0x0  }
0x81: {  	[sflag:s0] =	ssyncadd.s32 @!p0 s1  }
0x82: {  	[bflag:$0x3] =	sbarrier.arrive $0xFFFF  }
0x83: {  	_ =	shalt  }

// kernel: kernel.8.cloned.1.call-start
scs
__scs_entry_jumppad:
0x0: {  	(pc) =	sbr.rel $0x88, $3  }
0x1: {  	(tag) =	ssettag $0x0;
	lr =	simm.s32 $0x1  }
0x2: {  	[smem:$0x3F9A] =	sst lr;
	_ =	strace $0xD0000000  }
0x3: {  	_ = 	snop  }
0x4: {  	_ = 	snop  }
0x5: {  	_ = 	snop  }
0x6: {  	_ = 	snop  }
0x7: {  	_ = 	snop  }
__scs_overlays_trampoline_lowered:
0x8: {  	[smem:$0x3FA9] =	sst s0  }
0x9: {  	[smem:$0x3FAA] =	sst s1  }
0xa: {  	[smem:$0x3FAB] =	sst s2  }
0xb: {  	[smem:$0x3FAC] =	sst s3  }
0xc: {  	[smem:$0x3FAD] =	sst s4  }
0xd: {  	[smem:$0x3FAE] =	sst s5  }
0xe: {  	[smem:$0x3FAF] =	sst s6  }
0xf: {  	[smem:$0x3FB0] =	sst s7  }
0x10: {  	[smem:$0x3FB1] =	sst s8  }
0x11: {  	[smem:$0x3FB2] =	sst s9;
	s0 =	simm.s32 @!p0 $0x0  }
0x12: {  	s1 =	sld [smem:$0x3F98];
	s0 =	simm.s32 @p0 $0x1  }
0x13: {  	[smem:$0x3FB3] =	sst s0;
	s0 =	simm.s32 @!p1 $0x0  }
0x14: {  	s2 =	sld [smem:$0x3F97];
	s0 =	simm.s32 @p1 $0x1  }
0x15: {  	[smem:$0x3FB4] =	sst s0;
	s0 =	simm.s32 @!p2 $0x0  }
0x16: {  	s3 =	sld [smem:$0x3FDB];
	s0 =	simm.s32 @p2 $0x1  }
0x17: {  	s4 =	simm.s32 $0x1BF5;
	[smem:$0x3FB6] =	sst s0  }
0x18: {  	s0 =	sld [smem:$0x3F99];
	_ =	swait.ge [sflag:s4], $0x0  }
0x19: {  	s7 =	sld [smem:$0x3F9A]  }
0x1a: {  	s8 =	sadd.s32 $0xFFFFE003, lr  }
0x1b: {  	s9 =	sadd.s32 $0xFFFFFEF7, lr;
	s5 =	simm.s32 $0xFFFFFFFF;
	p2 =	slt.u32 s8, $0xFFFFF086  }
0x1c: {  	p1 =	slt.u32 s9, $0xF7A;
	s5 =	simm.s32 @!p2 $0x0  }
0x1d: {  	s5 =	simm.s32 @p1 $0x1;
	p0 =	seq.s32 s7, s2  }
0x1e: {  	s7 =	smul.u32 @!p0 $0xF7A, s2;
	p2 =	seq.s32 @!p0 s5, $0x0  }
0x1f: {  	s9 =	smul.u32 $0xF7A, s1;
	s8 =	simm.s32 @!p0 $0x1BF5;
	p2 =	por !p2, p0  }
0x20: {  	[sflag:s8] =	ssyncset.s32 @!p0 $0xFFFFF086;
	s6 =	sadd.s32 @!p0 s3, s7;
	s7 =	simm.s32 @!p0 $0x108  }
0x21: {  	s3 =	sadd.s32 s3, s9;
	s6 =	sadd.s32 @!p0 $0x88, s6;
	s7 =	simm.s32 @p2 $0x1082  }
0x22: {  	[simem:s7], [sflag:s8] =	dma.local @!p0 [hbm:s6], $0xF7A  }
0x23: {  	s9 =	sor.u32 $0xD0000000, s2;
	s6 =	simm.s32 $0x108;
	_ =	swait.ge @!p0 [sflag:s8], $0x0  }
0x24: {  	s3 =	sadd.s32 $0x88, s3;
	s6 =	simm.s32 @!p1 $0x1082;
	[sflag:s4] =	ssyncset.s32 $0xFFFFF086  }
0x25: {  	[simem:s6], [sflag:s4] =	dma.local [hbm:s3], $0xF7A  }
0x26: {  	[smem:$0x3F9A] =	sst s1;
	(tag) =	ssettag s2;
	_ =	strace s9  }
0x27: {  	s1 =	sld [smem:$0x3FAA]  }
0x28: {  	s2 =	sld [smem:$0x3FAB]  }
0x29: {  	s4 =	sld [smem:$0x3FAD]  }
0x2a: {  	p0 =	seq.s32 s5, $0x0;
	s5 =	sld [smem:$0x3FAE]  }
0x2b: {  	s6 =	sld [smem:$0x3FAF]  }
0x2c: {  	s7 =	sld [smem:$0x3FB0]  }
0x2d: {  	s3 =	simm.s32 $0x108;
	s8 =	sld [smem:$0x3FB1]  }
0x2e: {  	s3 =	simm.s32 @!p0 $0x1082;
	s9 =	sld [smem:$0x3FB2]  }
0x2f: {  	lr =	sadd.s32 s0, s3;
	s0 =	sld [smem:$0x3FA9]  }
0x30: {  	s3 =	sld [smem:$0x3FAC]  }
0x31: {  	[smem:$0x3FB5] =	sst s10  }
0x32: {  	s10 =	sld [smem:$0x3FB3];
	_ =	sdelay $0x3  }
0x33: {  	p0 =	seq.s32 s10, $0x1;
	s10 =	sld [smem:$0x3FB5];
	_ =	sdelay $0x3  }
0x34: {  	[smem:$0x3FB5] =	sst s10  }
0x35: {  	s10 =	sld [smem:$0x3FB4];
	_ =	sdelay $0x3  }
0x36: {  	p1 =	seq.s32 s10, $0x1;
	s10 =	sld [smem:$0x3FB5];
	_ =	sdelay $0x3  }
0x37: {  	[smem:$0x3FB5] =	sst s10  }
0x38: {  	s10 =	sld [smem:$0x3FB6]  }
0x39: {  	_ = 	snop;
	(pc) =	sbr.ind lr, $3  }
0x3a: {  	_ = 	snop  }
0x3b: {  	_ = 	snop  }
0x3c: {  	p2 =	seq.s32 s10, $0x1;
	s10 =	sld [smem:$0x3FB5]  }
0x3d: {  	_ =	shalt  }
0x3e: {  	_ =	shalt  }
0x3f: {  	_ =	shalt  }
0x40: {  	_ =	shalt  }
0x41: {  	_ =	shalt  }
0x42: {  	_ =	shalt  }
0x43: {  	_ =	shalt  }
0x44: {  	_ =	shalt  }
0x45: {  	_ =	shalt  }
0x46: {  	_ =	shalt  }
0x47: {  	_ =	shalt  }
0x48: {  	_ =	shalt  }
0x49: {  	_ =	shalt  }
0x4a: {  	_ =	shalt  }
0x4b: {  	_ =	shalt  }
0x4c: {  	_ =	shalt  }
0x4d: {  	_ =	shalt  }
0x4e: {  	_ =	shalt  }
0x4f: {  	_ =	shalt  }
0x50: {  	_ =	shalt  }
0x51: {  	_ =	shalt  }
0x52: {  	_ =	shalt  }
0x53: {  	_ =	shalt  }
0x54: {  	_ =	shalt  }
0x55: {  	_ =	shalt  }
0x56: {  	_ =	shalt  }
0x57: {  	_ =	shalt  }
0x58: {  	_ =	shalt  }
0x59: {  	_ =	shalt  }
0x5a: {  	_ =	shalt  }
0x5b: {  	_ =	shalt  }
0x5c: {  	_ =	shalt  }
0x5d: {  	_ =	shalt  }
0x5e: {  	_ =	shalt  }
0x5f: {  	_ =	shalt  }
0x60: {  	_ =	shalt  }
0x61: {  	_ =	shalt  }
0x62: {  	_ =	shalt  }
0x63: {  	_ =	shalt  }
0x64: {  	_ =	shalt  }
0x65: {  	_ =	shalt  }
0x66: {  	_ =	shalt  }
0x67: {  	_ =	shalt  }
0x68: {  	_ =	shalt  }
0x69: {  	_ =	shalt  }
0x6a: {  	_ =	shalt  }
0x6b: {  	_ =	shalt  }
0x6c: {  	_ =	shalt  }
0x6d: {  	_ =	shalt  }
0x6e: {  	_ =	shalt  }
0x6f: {  	_ =	shalt  }
0x70: {  	_ =	shalt  }
0x71: {  	_ =	shalt  }
0x72: {  	_ =	shalt  }
0x73: {  	_ =	shalt  }
0x74: {  	_ =	shalt  }
0x75: {  	_ =	shalt  }
0x76: {  	_ =	shalt  }
0x77: {  	_ =	shalt  }
0x78: {  	_ =	shalt  }
0x79: {  	_ =	shalt  }
0x7a: {  	_ =	shalt  }
0x7b: {  	_ =	shalt  }
0x7c: {  	_ =	shalt  }
0x7d: {  	_ =	shalt  }
0x7e: {  	_ =	shalt  }
0x7f: {  	_ =	shalt  }
0x80: {  	_ =	shalt  }
0x81: {  	_ =	shalt  }
0x82: {  	_ =	shalt  }
0x83: {  	_ =	shalt  }
0x84: {  	_ =	shalt  }
0x85: {  	_ =	shalt  }
0x86: {  	_ =	shalt  }
0x87: {  	_ =	shalt  }
.Lfunc_end0:
.L_simem_size_0:
called_computation_lowered:
.L_overlay_start_0:
0x88: {  	s2 =	sld [smem:$0x3FD9]  }
0x89: {  	s3 =	sld [smem:$0x3FFE];
	_ =	sdelay $0x1  }
0x8a: {  	s1 =	srdreg.scid  }
0x8b: {  	s0 =	sand.u32 $0x1, s1  }
0x8c: {  	s16 =	sshll.u32 s0, $0xA;
	s2 =	sadd.s32 s3, s2  }
0x8d: {  	s2 =	sadd.s32 s2, s16  }
0x8e: {  	[smem:$0x3FC1] =	sst s2  }
0x8f: {  	_ = 	snop  }
0x90: {  	(tm) =	ssettm $0x1  }
0x91: {  	s17 =	sld [smem:$0x3FFB];
	_ =	sdelay $0x3  }
0x92: {  	_ =	strace s17  }
0x93: {  	s2 =	sld [smem:$0x3FFC];
	_ =	sdelay $0x3  }
0x94: {  	_ =	strace s2  }
0x95: {  	s2 =	sld [smem:$0x3FFD];
	_ =	sdelay $0x3  }
0x96: {  	_ =	strace s2  }
0x97: {  	_ =	strace $0x8FFFFFFF  }
0x98: {  	s18 =	sld [smem:$0x3FDB];
	_ =	sdelay $0x1  }
0x99: {  	s19 =	simm.s32 $_scs_section_size  }
0x9a: {  	s4 =	simm.s32 $_size__tile_overlayer_lowered;
	s5 =	simm.s32 $_tile_overlayer_lowered  }
0x9b: {  	s22 =	simm.s32 $0x1BFF;
	s21 =	sshll.u32 s5, $0x1;
	s2 =	sadd.s32 s19, s18  }
0x9c: {  	s6 =	simm.s32 $0x0;
	s20 =	sshll.u32 s4, $0x1;
	s4 =	sadd.s32 s21, s2  }
0x9d: {  	[timem:s6], [sflag:s22] =	dma.local [hbm:s4], s20  }
0x9e: {  	_ =	swait.ge [sflag:s22], s20  }
0x9f: {  	s3 =	ssub.s32 $0x0, s20;
	[sflag:s22] =	ssyncset.done $0x0  }
0xa0: {  	[sflag:s22] =	ssyncadd.s32 s3;
	_ =	sdelay $0x1  }
0xa1: {  	s23 =	simm.s32 $0x1B8B  }
0xa2: {  	_ =	swait.ge [sflag:s23], $0x1  }
0xa3: {  	[sflag:s23] =	ssyncset.done $0x0  }
0xa4: {  	s25 =	simm.s32 $0x1B8E;
	s24 =	sld [smem:$0x3FFE];
	[sflag:s23] =	ssyncadd.s32 $0xFFFFFFFF  }
0xa5: {  	s26 =	simm.s32 $execute0_lowered;
	[smem:$0x3FD2] =	sst s25  }
0xa6: {  	s4 =	sshll.u32 s26, $0x1;
	_ =	strace $0x80000046;
	[dreg:$0x1] =	wrdreg $0xFFFFFFFF  }
0xa7: {  	s28 =	simm.s32 $_size_execute0_lowered;
	s2 =	sadd.s32 s2, s4;
	[dreg:$0x0] =	wrdreg $0x0  }
0xa8: {  	s4 =	sshll.u32 s28, $0x1;
	[dreg:$0x2] =	wrdreg s2  }
0xa9: {  	[dreg:$0x3] =	wrdreg s4  }
0xaa: {  	[dreg:$0x4] =	wrdreg $0xC0  }
0xab: {  	_ =	task [dreg:s6], $0x5FFFF  }
0xac: {  	[dreg:$0x1] =	wrdreg $0xFFFFFFFF  }
0xad: {  	[dreg:$0x0] =	wrdreg $0x60  }
0xae: {  	[dreg:$0x2] =	wrdreg s24  }
0xaf: {  	[dreg:$0x3] =	wrdreg $0x0  }
0xb0: {  	[dreg:$0x4] =	wrdreg $0x9  }
0xb1: {  	_ =	task.clear_ibuf [dreg:s6], $0x5FFFF;
	_ =	strace $0x90000046  }
0xb2: {  	s29 =	simm.s32 $0x9;
	_ =	strace $0x80000048  }
0xb3: {  	_ =	swait.ge [sflag:s29], $0x1  }
0xb4: {  	[sflag:s29] =	ssyncadd.s32 $0xFFFFFFFF  }
0xb5: {  	_ =	strace $0x90000048  }
0xb6: {  	_ =	sfence  }
0xb7: {  	s30 =	sld [smem:$0x0];
	_ =	sdelay $0x2  }
0xb8: {  	s31 =	sshll.u32 s1, $0xD;
	s1 =	sshrl.u32 s1, $0x2  }
0xb9: {  	s3 =	sand.u32 $0x4000, s31;
	s1 =	sadd.s32 s1, s30  }
0xba: {  	s0 =	sor.u32 s3, s0;
	s1 =	sshll.u32 s1, $0x11  }
0xbb: {  	s0 =	sor.u32 s1, s0  }
0xbc: {  	s0 =	sadd.s32 $0x8F2B, s0  }
0xbd: {  	[sflag:s0] =	ssyncadd.remote.s32 $0x1  }
0xbe: {  	_ =	sfence.sel $0xFFFF  }
0xbf: {  	[dreg:$0x0] =	wrdreg $0xFFFFFFFF;
	(pc) =	sbr.abs _section_cstart, $3  }
0xc0: {  	[dreg:$0x1] =	wrdreg $0xFFFFFFFF  }
0xc1: {  	_ =	task.clear_ibuf [dreg:s6], $0x2FFFF;
	_ =	strace $0x9FFFFFFF  }
0xc2: {  	(tm) =	ssettm $0x7FFFFFFF  }
0xc3: {  	_ =	shalt  }
tec
execute0_lowered:
.L_overlay_start_1:
0x0: {  	(tag) =	ssettag $0x1  }
0x1: {  	s5 =	rddreg [dreg:$0x0]  }
0x2: {  	s1 =	rddreg [dreg:$0x1];
	s3 =	srdreg.scid  }
0x3: {  	s0 =	rddreg [dreg:$0x2];
	s2 =	simm.s32 $0x0;
	s8 =	sand.u32 $0x1, s3  }
0x4: {  	s7 =	sadd.s32 $0x188800, s5;
	s3 =	stileid.u32;
	s4 =	sadd.s32 $0x1B9600, s5  }
0x5: {  	[smem:$0x7FF] =	sst s2;
	s11 =	sadd.s32 $0x1B9800, s5;
	s10 =	smul.u32 $0x13880, s3  }
0x6: {  	s12 =	sadd.s32 $0xC5200, s5;
	_ =	strace $0x80000047;
	s31 =	smul.u32 $0x1388, s3  }
0x7: {  	s6 =	ssub.s32 $0x2, s8;
	s30 =	sshll.u32 s8, $0x4;
	s17 =	smul.u32 $0x186A0, s8  }
0x8: {  	s15 =	sshll.u32 s3, $0x6;
	s26 =	smul.u32 $0x30D40, s3;
	s9 =	sshrl.u32 s6, $0x1  }
0x9: {  	p0 =	sgt.u32 s3, $0x3;
	s5 =	sor.u32 s3, s30;
	s13 =	ssub.s32 s6, s9  }
0xa: {  	s14 =	sadd.s32 s10, s1;
	s19 =	sshrl.u32 s10, $0x3;
	s16 =	smul.u32 $0x30D40, s5  }
0xb: {  	s6 =	sor.u32 $0x1C01, s15;
	s10 =	sadd.s32 $0x138800, s10;
	s22 =	sadd.s32 s31, s17  }
0xc: {  	s23 =	sadd.s32 $0x13880, s31;
	s5 =	sadd.s32 s7, s19;
	s20 =	sshrl.u32 s10, $0x3  }
0xd: {  	s18 =	sadd.s32 s10, s1;
	s19 =	smul.u32 $0x30D400, s8;
	s24 =	sshll.u32 s22, $0x1  }
0xe: {  	s25 =	sadd.s32 s17, s23;
	s29 =	sshll.u32 s23, $0x4;
	s17 =	simm.s32 $0x186A0  }
0xf: {  	s22 =	simm.s32 $0x0;
	s16 =	sshrl.u32 s16, $0x3;
	s7 =	sadd.s32 s7, s20  }
0x10: {  	s9 =	sadd.s32 s11, s24;
	s28 =	sshll.u32 s25, $0x1;
	s15 =	sshrl.u32 @!p0 s18, $0x3  }
0x11: {  	s18 =	simm.s32 $0x80;
	s20 =	simm.s32 $0x40;
	s21 =	sadd.s32 s12, s16  }
0x12: {  	s10 =	sadd.s32 s11, s28;
	s30 =	sadd.s32 s26, s19;
	s11 =	smax.u32 s13, $0x1  }
0x13: {  	s13 =	sshrl.u32 s14, $0x3;
	s14 =	simm.s32 $0x1;
	s16 =	simm.s32 $0x18760  }
0x14: {  	s8 =	sadd.s32 $0x61A0, s21;
	s21 =	sadd.s32 s29, s1;
	s31 =	sshrl.u32 s30, $0x3  }
0x15: {  	s19 =	simm.s32 $0x18720;
	s12 =	sadd.s32 s31, s12;
	s21 =	sshrl.u32 @!p0 s21, $0x3  }
.LBB2_1:
0x16: {  	[spmem:s13], [sflag:s6] =	dma.local [hbm:s5], $0x2710  }
0x17: {  	_ =	swait.ge [sflag:s14], $0x2710  }
0x18: {  	[sflag:s14] =	ssyncset.done $0x0  }
0x19: {  	s23 =	simm.s32 @!p0 $0x1;
	[sflag:s14] =	ssyncadd.s32 $0xFFFFD8F0  }
0x1a: {  	[spmem:s15], [sflag:s6] =	dma.local @!p0 [hbm:s7], $0x2710  }
0x1b: {  	_ =	swait.ge @!p0 [sflag:s23], $0x2710  }
0x1c: {  	[sflag:s23] =	ssyncset.done @!p0 $0x0  }
0x1d: {  	[sflag:s23] =	ssyncadd.s32 @!p0 $0xFFFFD8F0  }
0x1e: {  	[tilespmem:s16], [sflag:$0x1] =	stream.linear.gather [hbm4b:s4+s2], $0x800, $0x38;
	[tilespmem:$0x18F60] =	vst v63  }
0x1f: {  	_ =	swait.ge [sflag:s14], $0x800  }
0x20: {  	[sflag:s14] =	ssyncset.done $0x0  }
0x21: {  	[sflag:s14] =	ssyncadd.s32 $0xFFFFF800  }
0x22: {  	s31 =	sadd.s32 $0x0, s12;
	[bflag:$0x0] =	sbarrier.arrive $0xFFFF  }
0x23: {  	[tilespmem:s17], [sflag:$0x1] =	stream.linear.gather [hbm4b:s31+s2], $0x80, $0x38;
	[tilespmem:$0x18F60] =	vst v63  }
0x24: {  	_ =	swait.ge [sflag:s14], $0x80  }
0x25: {  	[sflag:s14] =	ssyncset.done $0x0  }
0x26: {  	[sflag:s14] =	ssyncadd.s32 $0xFFFFFF80  }
0x27: {  	[spmem:s1] =	stream.indirect.scatter.add.f32 [tilespmem:s16], [sflag:$0x1], $0x10, s17, s18, $0xb8;
	[tilespmem:$0x18F60] =	vst v63  }
0x28: {  	_ =	swait.ge [sflag:s14], $0x800  }
0x29: {  	s24 =	simm.s32 $0x20;
	s23 =	simm.s32 $0x10;
	[sflag:s14] =	ssyncset.done $0x0  }
.LBB2_2:
0x2a: {  	s25 =	sadd.s32 s23, s12  }
0x2b: {  	[sflag:s14] =	ssyncadd.s32 $0xFFFFF800;
	s23 =	smov.u32 s24;
	s26 =	sadd.s32 $0x10, s24  }
0x2c: {  	[tilespmem:s17], [sflag:$0x1] =	stream.linear.gather [hbm4b:s25+s2], $0x80, $0x38;
	[tilespmem:$0x18F60] =	vst v63  }
0x2d: {  	p1 =	sne.s32 s24, $0x6190;
	_ =	swait.ge [sflag:s14], $0x80  }
.Ltmp0:
0x2e: {  	[sflag:s14] =	ssyncset.done $0x0;
	(pc) =	sbr.rel @p1 .LBB2_2-.Ltmp0, $4  }
0x2f: {  	[sflag:s14] =	ssyncadd.s32 $0xFFFFFF80  }
0x30: {  	[spmem:s1] =	stream.indirect.scatter.add.f32 [tilespmem:s16], [sflag:$0x1], $0x10, s17, s18, $0xb8;
	[tilespmem:$0x18F60] =	vst v63  }
0x31: {  	_ =	swait.ge [sflag:s14], $0x800  }
0x32: {  	s24 =	smov.u32 s26;
	[sflag:s14] =	ssyncset.done $0x0  }
0x33: {  	s23 =	sadd.s32 s23, s12;
	[sflag:s14] =	ssyncadd.s32 $0xFFFFF800  }
0x34: {  	[tilespmem:s17], [sflag:$0x1] =	stream.linear.gather [hbm4b:s23+s2], $0x80, $0x38;
	[tilespmem:$0x18F60] =	vst v63  }
0x35: {  	_ =	swait.ge [sflag:s14], $0x80  }
0x36: {  	[sflag:s14] =	ssyncset.done $0x0  }
0x37: {  	[sflag:s14] =	ssyncadd.s32 $0xFFFFFF80  }
0x38: {  	[spmem:s1] =	stream.indirect.scatter.add.f32 [tilespmem:s16], [sflag:$0x1], $0x10, s17, s18, $0xb8;
	[tilespmem:$0x18F60] =	vst v63  }
0x39: {  	_ =	swait.ge [sflag:s14], $0x800  }
0x3a: {  	[sflag:s14] =	ssyncset.done $0x0  }
0x3b: {  	[sflag:s14] =	ssyncadd.s32 $0xFFFFF800  }
0x3c: {  	[tilespmem:s19], [sflag:$0x1] =	stream.linear.gather [hbm4b:s8+s2], $0x40, $0x38;
	[tilespmem:$0x18F60] =	vst v63  }
0x3d: {  	_ =	swait.ge [sflag:s14], $0x40  }
0x3e: {  	[sflag:s14] =	ssyncset.done $0x0  }
0x3f: {  	[sflag:s14] =	ssyncadd.s32 $0xFFFFFFC0  }
0x40: {  	[spmem:s1] =	stream.indirect.scatter.add.f32 [tilespmem:s16], [sflag:$0x1], $0x10, s19, s20, $0xb8;
	[tilespmem:$0x18F60] =	vst v63  }
0x41: {  	_ =	swait.ge [sflag:s14], $0x400  }
0x42: {  	[sflag:s14] =	ssyncset.done $0x0  }
0x43: {  	[sflag:s14] =	ssyncadd.s32 $0xFFFFFC00  }
0x44: {  	[bflag:$0x0] =	sbarrier.arrive $0xFFFF  }
0x45: {  	[hbm:s9], [sflag:s6] =	dma.local [spmem:s13], $0x2710  }
0x46: {  	s22 =	sadd.s32 $0x1, s22;
	_ =	swait.ge [sflag:s14], $0x2710  }
0x47: {  	p1 =	sne.s32 s22, s11;
	[sflag:s14] =	ssyncset.done $0x0  }
.Ltmp1:
0x48: {  	s23 =	simm.s32 @!p0 $0x1;
	[sflag:s14] =	ssyncadd.s32 $0xFFFFD8F0;
	(pc) =	sbr.rel @p1 .LBB2_1-.Ltmp1, $4  }
0x49: {  	[hbm:s10], [sflag:s6] =	dma.local @!p0 [spmem:s21], $0x2710  }
0x4a: {  	_ =	swait.ge @!p0 [sflag:s23], $0x2710  }
0x4b: {  	[sflag:s23] =	ssyncset.done @!p0 $0x0  }
0x4c: {  	[sflag:s23] =	ssyncadd.s32 @!p0 $0xFFFFD8F0  }
0x4d: {  	_ =	sfence.sel $0x180000  }
0x4e: {  	[bflag:$0x0] =	sbarrier.arrive $0xFFFF  }
0x4f: {  	p0 =	sne.s32 s3, $0x0;
	_ =	strace $0x90000047  }
0x50: {  	s0 =	sadd.s32 @!p0 $0x100000, s0;
	[bflag:$0x2] =	sbarrier.arrive $0xFFFF  }
0x51: {  	[sflag:s0] =	ssyncadd.tile.s32 @!p0 $0x1;
	_ =	shalt  }
.Lfunc_end2:
_tile_overlayer_lowered:
.L_overlay_start_2:
0x52: {  	(tag) =	ssettag $0x2  }
0x53: {  	s0 =	rddreg [dreg:$0x0];
	s2 =	stileid.u32  }
0x54: {  	s1 =	rddreg [dreg:$0x1];
	p0 =	sne.s32 s2, $0x0  }
0x55: {  	s3 =	rddreg [dreg:$0x2];
	[bflag:$0x3] =	sbarrier.arrive $0xFFFF;
	s2 =	simm.s32 @!p0 $0x1C01  }
0x56: {  	[timem:s3], [sflag:s2] =	dma.local @!p0 [hbm:s0], s1  }
0x57: {  	s0 =	simm.s32 @!p0 $0x1  }
0x58: {  	_ =	swait.ge @!p0 [sflag:s0], s1  }
0x59: {  	s1 =	ssub.s32 @!p0 $0x0, s1;
	[sflag:s0] =	ssyncset.done @!p0 $0x0  }
0x5a: {  	[sflag:s0] =	ssyncadd.s32 @!p0 s1  }
0x5b: {  	[bflag:$0x3] =	sbarrier.arrive $0xFFFF  }
0x5c: {  	_ =	shalt  }

</sc_bundles>
